<compile_context>
chip_gen: v7x
topology: tpu7x:2x2x1
jax: 0.10.2.dev20260603
libtpu: 0.0.44.dev20260713+nightly
codegen_flags: <defaults>
</compile_context>

<pallas_src>
import functools

import jax
import jax.numpy as jnp
from jax import lax
from jax.experimental import pallas as pl
from jax.experimental.pallas import tpu as pltpu
from jax.experimental.pallas import tpu_sc as plsc

_N_PATH = 8
_D = 2048
_NVREG = _D // 16
_NWORKER = 32


def _sc_full(w_hbm, x_hbm, out_hbm, z_v, p_v, mask_v, x_v, out_v, shared_mask):
    c = lax.axis_index("c")
    s = lax.axis_index("s")

    @pl.when(s < _N_PATH)
    def _():
        pltpu.sync_copy(w_hbm.at[s], z_v)

        def halve(j, _):
            z_v[pl.ds(j * 16, 16)] = z_v[pl.ds(j * 16, 16)] * 0.5
            return 0

        lax.fori_loop(0, _NVREG, halve, 0)

        def maxbody(j, acc):
            return jnp.maximum(acc, z_v[pl.ds(j * 16, 16)])

        acc0 = jnp.full((16,), -1e30, jnp.float32)
        maxv = lax.fori_loop(0, _NVREG, maxbody, acc0)
        zmax = maxv[0]
        for i in range(1, 16):
            zmax = jnp.maximum(zmax, maxv[i])

        def newton(_, tau):
            def inner(j, carry):
                facc, fpacc = carry
                t = jnp.maximum(z_v[pl.ds(j * 16, 16)] - tau, 0.0)
                return facc + t * t, fpacc + t

            zero = jnp.zeros((16,), jnp.float32)
            facc, fpacc = lax.fori_loop(0, _NVREG, inner, (zero, zero))
            fs = facc[0]
            fps = fpacc[0]
            for i in range(1, 16):
                fs = fs + facc[i]
                fps = fps + fpacc[i]
            fs_v = jnp.broadcast_to(fs, (16,))
            fps_v = jnp.broadcast_to(fps, (16,))
            return tau - (fs_v - 1.0) / (-2.0 * fps_v)

        tau0 = jnp.broadcast_to(zmax - 1.0, (16,))
        tau = lax.fori_loop(0, 12, newton, tau0)

        def mask_body(j, _):
            t = jnp.maximum(z_v[pl.ds(j * 16, 16)] - tau, 0.0)
            p_v[pl.ds(j * 16, 16)] = t * t
            return 0

        lax.fori_loop(0, _NVREG, mask_body, 0)
        pltpu.sync_copy(p_v, shared_mask.at[s])

    plsc.subcore_barrier()
    pltpu.sync_copy(shared_mask, mask_v)

    wid = s * 2 + c
    rows_per_w = 4096 // _NWORKER
    base = wid * rows_per_w

    def row_body(i, _):
        b = base + i
        pltpu.sync_copy(x_hbm.at[b], x_v)

        def jloop(j, _):
            xv = x_v[pl.ds(j * 16, 16)]
            for n in range(_N_PATH):
                out_v[n, pl.ds(j * 16, 16)] = xv * mask_v[n, pl.ds(j * 16, 16)]
            return 0

        lax.fori_loop(0, _NVREG, jloop, 0)
        pltpu.sync_copy(out_v, out_hbm.at[b])
        return 0

    lax.fori_loop(0, rows_per_w, row_body, 0)


@jax.jit
def kernel(x, W):
    n_path, d = W.shape
    batch = x.shape[0]

    mesh = plsc.VectorSubcoreMesh(core_axis_name="c", subcore_axis_name="s")
    sc_full = functools.partial(
        pl.kernel,
        mesh=mesh,
        out_type=jax.ShapeDtypeStruct((batch, n_path, d), jnp.float32),
        scratch_types=[
            pltpu.VMEM((d,), jnp.float32),
            pltpu.VMEM((d,), jnp.float32),
            pltpu.VMEM((n_path, d), jnp.float32),
            pltpu.VMEM((d,), jnp.float32),
            pltpu.VMEM((n_path, d), jnp.float32),
            pltpu.VMEM_SHARED((n_path, d), jnp.float32),
        ],
    )(_sc_full)
    return sc_full(W, x)

# --- scband reference (transcript-rebuilt; emitter-appended) ---
"""Pipeline reference for scband-learnable-locality-86715389706297 (READ-ONLY COPY).

The authoritative reference and input builder live on the scoring server;
editing this copy changes nothing except your own understanding.
"""

import jax, jax.numpy as jnp
import numpy as np


def entmax15(z, axis=-1):
    # Exact sorting-based Entmax-1.5 (Peters et al., 2019)
    z = z / 2.0
    z_sorted = jnp.flip(jnp.sort(z, axis=axis), axis=axis)  # descending
    d = z.shape[axis]
    rho = jnp.arange(1, d + 1, dtype=z.dtype)
    shape = [1] * z.ndim
    shape[axis] = d
    rho = rho.reshape(shape)
    mean = jnp.cumsum(z_sorted, axis=axis) / rho
    mean_sq = jnp.cumsum(z_sorted ** 2, axis=axis) / rho
    ss = rho * (mean_sq - mean ** 2)
    delta = (1.0 - ss) / rho
    delta_nz = jnp.clip(delta, 0.0, None)
    tau = mean - jnp.sqrt(delta_nz)
    support_size = jnp.sum((tau <= z_sorted).astype(jnp.int32), axis=axis, keepdims=True)
    tau_star = jnp.take_along_axis(tau, support_size - 1, axis=axis)
    return jnp.clip(z - tau_star, 0.0, None) ** 2


def setup_inputs(seed: int = 0) -> dict:
    key = jax.random.key(seed)
    k1, k2 = jax.random.split(key)
    batch, input_dim, n_path = 4096, 2048, 8
    x = jax.random.normal(k1, (batch, input_dim), dtype=jnp.float32)
    # nn.Parameter(torch.rand((n_path, input_dim))) -> uniform [0, 1)
    W = jax.random.uniform(k2, (n_path, input_dim), dtype=jnp.float32)
    return {"x": x, "W": W}


def reference(x, W):
    mask = entmax15(W, axis=-1)               # [n_path, input_dim]
    masked_x = jnp.einsum('nd,bd->bnd', mask, x)  # [batch, n_path, input_dim]
    return masked_x

if __name__ == "__main__":
    import jax
    _d = setup_inputs()
    print(jax.jit(kernel)(*tuple(_d.values())))

</pallas_src>

<mosaic_0001>
#map = affine_map<(d0, d1) -> (0, 0)>
#map1 = affine_map<(d0, d1) -> (0, 0, 0)>
module attributes {stable_mosaic.version = 14 : i64} {
  func.func @_sc_full(%arg0: i32, %arg1: i32, %arg2: memref<8x2048xf32, #tpu.memory_space<hbm>>, %arg3: memref<4096x2048xf32, #tpu.memory_space<hbm>>, %arg4: memref<4096x8x2048xf32, #tpu.memory_space<hbm>>, %arg5: memref<2048xf32, #tpu.memory_space<vmem>>, %arg6: memref<2048xf32, #tpu.memory_space<vmem>>, %arg7: memref<8x2048xf32, #tpu.memory_space<vmem>>, %arg8: memref<2048xf32, #tpu.memory_space<vmem>>, %arg9: memref<8x2048xf32, #tpu.memory_space<vmem>>, %arg10: memref<8x2048xf32, #tpu.memory_space<vmem_shared>>) attributes {dimension_semantics = [#tpu.dimension_semantics<core_parallel>, #tpu.dimension_semantics<subcore_parallel>], iteration_bounds = array<i64: 2, 16>, scalar_prefetch = 0 : i64, scratch_operands = 6 : i64, tpu.core_type = #tpu.core_type<sc_vector_subcore>, window_params = [{transform_indices = #map}, {transform_indices = #map}, {transform_indices = #map1}]} {
    %lt3A = arith.constant 8 : i32
    %lt3A_0 = arith.cmpi slt, %arg1, %lt3A : i32
    %convert_element_type3A = arith.extui %lt3A_0 : i1 to i32
    %cond3A = arith.constant 0 : i32
    %cond3A_1 = arith.cmpi ne, %convert_element_type3A, %cond3A : i32
    scf.if %cond3A_1 {
      "tpu.region"() ({
        %run_scoped3A = tpu.sem_alloc : memref<!tpu.dma_semaphore, #tpu.memory_space<semaphore_mem>>
        %dma_start3A = arith.constant 0 : i32
        %dma_start3A_84 = tpu.memref_slice %arg2[%arg1, %dma_start3A] : memref<8x2048xf32, #tpu.memory_space<hbm>> -> memref<1x2048xf32, #tpu.memory_space<hbm>>
        %dma_start3A_85 = tpu.memref_squeeze %dma_start3A_84 : memref<1x2048xf32, #tpu.memory_space<hbm>> -> memref<2048xf32, #tpu.memory_space<hbm>>
        %dma_start3A_86 = arith.constant 0 : i32
        %dma_start3A_87 = tpu.memref_slice %arg2[%arg1, %dma_start3A_86] : memref<8x2048xf32, #tpu.memory_space<hbm>> -> memref<1x2048xf32, #tpu.memory_space<hbm>>
        %dma_start3A_88 = tpu.memref_squeeze %dma_start3A_87 : memref<1x2048xf32, #tpu.memory_space<hbm>> -> memref<2048xf32, #tpu.memory_space<hbm>>
        tpu.enqueue_dma source(%dma_start3A_88 : memref<2048xf32, #tpu.memory_space<hbm>>) target(%arg5 : memref<2048xf32, #tpu.memory_space<vmem>>) target_semaphore(%run_scoped3A : memref<!tpu.dma_semaphore, #tpu.memory_space<semaphore_mem>>)
        %dma_wait3A = arith.constant 0 : i32
        %dma_wait3A_89 = tpu.memref_slice %arg2[%arg1, %dma_wait3A] : memref<8x2048xf32, #tpu.memory_space<hbm>> -> memref<1x2048xf32, #tpu.memory_space<hbm>>
        %dma_wait3A_90 = tpu.memref_squeeze %dma_wait3A_89 : memref<1x2048xf32, #tpu.memory_space<hbm>> -> memref<2048xf32, #tpu.memory_space<hbm>>
        %dma_wait3A_91 = arith.constant 0 : i32
        %dma_wait3A_92 = tpu.memref_slice %arg2[%arg1, %dma_wait3A_91] : memref<8x2048xf32, #tpu.memory_space<hbm>> -> memref<1x2048xf32, #tpu.memory_space<hbm>>
        %dma_wait3A_93 = tpu.memref_squeeze %dma_wait3A_92 : memref<1x2048xf32, #tpu.memory_space<hbm>> -> memref<2048xf32, #tpu.memory_space<hbm>>
        tpu.wait_dma2 semaphore(%run_scoped3A : memref<!tpu.dma_semaphore, #tpu.memory_space<semaphore_mem>>) src(%dma_wait3A_93 : memref<2048xf32, #tpu.memory_space<hbm>>) dst(%arg5 : memref<2048xf32, #tpu.memory_space<vmem>>)
        tpu.yield
      }) : () -> ()
      %scan3A_11 = arith.constant 0 : i32
      %scan3A_12 = arith.constant 0 : i32
      %scan3A_13 = arith.constant 128 : i32
      %scan3A_14 = arith.addi %scan3A_12, %scan3A_13 : i32
      %scan3A_15 = arith.constant 1 : i32
      %scan3A_16 = scf.for %scan3A_84 = %scan3A_12 to %scan3A_14 step %scan3A_15 iter_args(%scan3A_85 = %scan3A_11) -> (i32)  : i32 {
        %mul3A_86 = arith.constant 16 : i32
        %mul3A_87 = arith.muli %scan3A_84, %mul3A_86 : i32
        %get3A = arith.index_cast %mul3A_87 : i32 to index
        %get3A_88 = tpu.vector_load %arg5[%get3A] {strides = array<i32>} : memref<2048xf32, #tpu.memory_space<vmem>>, vector<16xf32>,
        %get3A_89 = vector.shape_cast %get3A_88 : vector<16xf32> to vector<16xf32>
        %mul3A_90 = arith.constant 5.000000e-01 : f32
        %mul3A_91 = vector.broadcast %mul3A_90 : f32 to vector<16xf32>
        %mul3A_92 = arith.mulf %get3A_89, %mul3A_91 : vector<16xf32>
        %mul3A_93 = arith.constant 16 : i32
        %mul3A_94 = arith.muli %scan3A_84, %mul3A_93 : i32
        %swap3A = arith.index_cast %mul3A_94 : i32 to index
        %swap3A_95 = tpu.vector_load %arg5[%swap3A] {strides = array<i32>} : memref<2048xf32, #tpu.memory_space<vmem>>, vector<16xf32>,
        %swap3A_96 = vector.shape_cast %swap3A_95 : vector<16xf32> to vector<16xf32>
        %swap3A_97 = vector.shape_cast %mul3A_92 : vector<16xf32> to vector<16xf32>
        tpu.vector_store %arg5[%swap3A], %swap3A_97 {strides = array<i32>} : memref<2048xf32, #tpu.memory_space<vmem>>, vector<16xf32>,
        %scan3A_98 = arith.constant 0 : i32
        scf.yield %scan3A_98 : i32
      }
      %scan3A_17 = arith.constant 128 : i32
      %broadcast_in_dim3A = arith.constant -1.000000e+30 : f32
      %broadcast_in_dim3A_18 = vector.broadcast %broadcast_in_dim3A : f32 to vector<16xf32>
      %scan3A_19 = arith.constant 0 : i32
      %scan3A_20 = arith.constant 128 : i32
      %scan3A_21 = arith.addi %scan3A_19, %scan3A_20 : i32
      %scan3A_22 = arith.constant 1 : i32
      %scan3A_23 = scf.for %scan3A_84 = %scan3A_19 to %scan3A_21 step %scan3A_22 iter_args(%scan3A_85 = %broadcast_in_dim3A_18) -> (vector<16xf32>)  : i32 {
        %mul3A_86 = arith.constant 16 : i32
        %mul3A_87 = arith.muli %scan3A_84, %mul3A_86 : i32
        %get3A = arith.index_cast %mul3A_87 : i32 to index
        %get3A_88 = tpu.vector_load %arg5[%get3A] {strides = array<i32>} : memref<2048xf32, #tpu.memory_space<vmem>>, vector<16xf32>,
        %get3A_89 = vector.shape_cast %get3A_88 : vector<16xf32> to vector<16xf32>
        %max3A_90 = arith.maximumf %scan3A_85, %get3A_89 : vector<16xf32>
        scf.yield %max3A_90 : vector<16xf32>
      }
      %scan3A_24 = arith.constant 128 : i32
      %slice3A = vector.extract_strided_slice %scan3A_23 {offsets = [0], sizes = [1], strides = [1]} : vector<16xf32> to vector<1xf32>
      %squeeze3A = vector.extract %slice3A[0] : f32 from vector<1xf32>
      %slice3A_25 = vector.extract_strided_slice %scan3A_23 {offsets = [1], sizes = [1], strides = [1]} : vector<16xf32> to vector<1xf32>
      %squeeze3A_26 = vector.extract %slice3A_25[0] : f32 from vector<1xf32>
      %max3A = arith.maximumf %squeeze3A, %squeeze3A_26 : f32
      %slice3A_27 = vector.extract_strided_slice %scan3A_23 {offsets = [2], sizes = [1], strides = [1]} : vector<16xf32> to vector<1xf32>
      %squeeze3A_28 = vector.extract %slice3A_27[0] : f32 from vector<1xf32>
      %max3A_29 = arith.maximumf %max3A, %squeeze3A_28 : f32
      %slice3A_30 = vector.extract_strided_slice %scan3A_23 {offsets = [3], sizes = [1], strides = [1]} : vector<16xf32> to vector<1xf32>
      %squeeze3A_31 = vector.extract %slice3A_30[0] : f32 from vector<1xf32>
      %max3A_32 = arith.maximumf %max3A_29, %squeeze3A_31 : f32
      %slice3A_33 = vector.extract_strided_slice %scan3A_23 {offsets = [4], sizes = [1], strides = [1]} : vector<16xf32> to vector<1xf32>
      %squeeze3A_34 = vector.extract %slice3A_33[0] : f32 from vector<1xf32>
      %max3A_35 = arith.maximumf %max3A_32, %squeeze3A_34 : f32
      %slice3A_36 = vector.extract_strided_slice %scan3A_23 {offsets = [5], sizes = [1], strides = [1]} : vector<16xf32> to vector<1xf32>
      %squeeze3A_37 = vector.extract %slice3A_36[0] : f32 from vector<1xf32>
      %max3A_38 = arith.maximumf %max3A_35, %squeeze3A_37 : f32
      %slice3A_39 = vector.extract_strided_slice %scan3A_23 {offsets = [6], sizes = [1], strides = [1]} : vector<16xf32> to vector<1xf32>
      %squeeze3A_40 = vector.extract %slice3A_39[0] : f32 from vector<1xf32>
      %max3A_41 = arith.maximumf %max3A_38, %squeeze3A_40 : f32
      %slice3A_42 = vector.extract_strided_slice %scan3A_23 {offsets = [7], sizes = [1], strides = [1]} : vector<16xf32> to vector<1xf32>
      %squeeze3A_43 = vector.extract %slice3A_42[0] : f32 from vector<1xf32>
      %max3A_44 = arith.maximumf %max3A_41, %squeeze3A_43 : f32
      %slice3A_45 = vector.extract_strided_slice %scan3A_23 {offsets = [8], sizes = [1], strides = [1]} : vector<16xf32> to vector<1xf32>
      %squeeze3A_46 = vector.extract %slice3A_45[0] : f32 from vector<1xf32>
      %max3A_47 = arith.maximumf %max3A_44, %squeeze3A_46 : f32
      %slice3A_48 = vector.extract_strided_slice %scan3A_23 {offsets = [9], sizes = [1], strides = [1]} : vector<16xf32> to vector<1xf32>
      %squeeze3A_49 = vector.extract %slice3A_48[0] : f32 from vector<1xf32>
      %max3A_50 = arith.maximumf %max3A_47, %squeeze3A_49 : f32
      %slice3A_51 = vector.extract_strided_slice %scan3A_23 {offsets = [10], sizes = [1], strides = [1]} : vector<16xf32> to vector<1xf32>
      %squeeze3A_52 = vector.extract %slice3A_51[0] : f32 from vector<1xf32>
      %max3A_53 = arith.maximumf %max3A_50, %squeeze3A_52 : f32
      %slice3A_54 = vector.extract_strided_slice %scan3A_23 {offsets = [11], sizes = [1], strides = [1]} : vector<16xf32> to vector<1xf32>
      %squeeze3A_55 = vector.extract %slice3A_54[0] : f32 from vector<1xf32>
      %max3A_56 = arith.maximumf %max3A_53, %squeeze3A_55 : f32
      %slice3A_57 = vector.extract_strided_slice %scan3A_23 {offsets = [12], sizes = [1], strides = [1]} : vector<16xf32> to vector<1xf32>
      %squeeze3A_58 = vector.extract %slice3A_57[0] : f32 from vector<1xf32>
      %max3A_59 = arith.maximumf %max3A_56, %squeeze3A_58 : f32
      %slice3A_60 = vector.extract_strided_slice %scan3A_23 {offsets = [13], sizes = [1], strides = [1]} : vector<16xf32> to vector<1xf32>
      %squeeze3A_61 = vector.extract %slice3A_60[0] : f32 from vector<1xf32>
      %max3A_62 = arith.maximumf %max3A_59, %squeeze3A_61 : f32
      %slice3A_63 = vector.extract_strided_slice %scan3A_23 {offsets = [14], sizes = [1], strides = [1]} : vector<16xf32> to vector<1xf32>
      %squeeze3A_64 = vector.extract %slice3A_63[0] : f32 from vector<1xf32>
      %max3A_65 = arith.maximumf %max3A_62, %squeeze3A_64 : f32
      %slice3A_66 = vector.extract_strided_slice %scan3A_23 {offsets = [15], sizes = [1], strides = [1]} : vector<16xf32> to vector<1xf32>
      %squeeze3A_67 = vector.extract %slice3A_66[0] : f32 from vector<1xf32>
      %max3A_68 = arith.maximumf %max3A_65, %squeeze3A_67 : f32
      %sub3A = arith.constant 1.000000e+00 : f32
      %sub3A_69 = arith.subf %max3A_68, %sub3A : f32
      %broadcast_in_dim3A_70 = vector.broadcast %sub3A_69 : f32 to vector<16xf32>
      %scan3A_71 = arith.constant 0 : i32
      %scan3A_72 = arith.constant 12 : i32
      %scan3A_73 = arith.addi %scan3A_71, %scan3A_72 : i32
      %scan3A_74 = arith.constant 1 : i32
      %scan3A_75 = scf.for %scan3A_84 = %scan3A_71 to %scan3A_73 step %scan3A_74 iter_args(%scan3A_85 = %broadcast_in_dim3A_70) -> (vector<16xf32>)  : i32 {
        %broadcast_in_dim3A_86 = arith.constant 0.000000e+00 : f32
        %broadcast_in_dim3A_87 = vector.broadcast %broadcast_in_dim3A_86 : f32 to vector<16xf32>
        %scan3A_88 = arith.constant 0 : i32
        %scan3A_89 = arith.constant 128 : i32
        %scan3A_90 = arith.addi %scan3A_88, %scan3A_89 : i32
        %scan3A_91 = arith.constant 1 : i32
        %scan3A_92:2 = scf.for %scan3A_197 = %scan3A_88 to %scan3A_90 step %scan3A_91 iter_args(%scan3A_198 = %broadcast_in_dim3A_87, %scan3A_199 = %broadcast_in_dim3A_87) -> (vector<16xf32>, vector<16xf32>)  : i32 {
          %mul3A_200 = arith.constant 16 : i32
          %mul3A_201 = arith.muli %scan3A_197, %mul3A_200 : i32
          %get3A = arith.index_cast %mul3A_201 : i32 to index
          %get3A_202 = tpu.vector_load %arg5[%get3A] {strides = array<i32>} : memref<2048xf32, #tpu.memory_space<vmem>>, vector<16xf32>,
          %get3A_203 = vector.shape_cast %get3A_202 : vector<16xf32> to vector<16xf32>
          %sub3A_204 = arith.subf %get3A_203, %scan3A_85 : vector<16xf32>
          %max3A_205 = arith.constant 0.000000e+00 : f32
          %max3A_206 = vector.broadcast %max3A_205 : f32 to vector<16xf32>
          %max3A_207 = arith.maximumf %sub3A_204, %max3A_206 : vector<16xf32>
          %mul3A_208 = arith.mulf %max3A_207, %max3A_207 : vector<16xf32>
          %add3A_209 = arith.addf %scan3A_198, %mul3A_208 : vector<16xf32>
          %add3A_210 = arith.addf %scan3A_199, %max3A_207 : vector<16xf32>
          scf.yield %add3A_209, %add3A_210 : vector<16xf32>, vector<16xf32>
        }
        %scan3A_93 = arith.constant 128 : i32
        %slice3A_94 = vector.extract_strided_slice %scan3A_92#0 {offsets = [0], sizes = [1], strides = [1]} : vector<16xf32> to vector<1xf32>
        %squeeze3A_95 = vector.extract %slice3A_94[0] : f32 from vector<1xf32>
        %slice3A_96 = vector.extract_strided_slice %scan3A_92#1 {offsets = [0], sizes = [1], strides = [1]} : vector<16xf32> to vector<1xf32>
        %squeeze3A_97 = vector.extract %slice3A_96[0] : f32 from vector<1xf32>
        %slice3A_98 = vector.extract_strided_slice %scan3A_92#0 {offsets = [1], sizes = [1], strides = [1]} : vector<16xf32> to vector<1xf32>
        %squeeze3A_99 = vector.extract %slice3A_98[0] : f32 from vector<1xf32>
        %add3A_100 = arith.addf %squeeze3A_95, %squeeze3A_99 : f32
        %slice3A_101 = vector.extract_strided_slice %scan3A_92#1 {offsets = [1], sizes = [1], strides = [1]} : vector<16xf32> to vector<1xf32>
        %squeeze3A_102 = vector.extract %slice3A_101[0] : f32 from vector<1xf32>
        %add3A_103 = arith.addf %squeeze3A_97, %squeeze3A_102 : f32
        %slice3A_104 = vector.extract_strided_slice %scan3A_92#0 {offsets = [2], sizes = [1], strides = [1]} : vector<16xf32> to vector<1xf32>
        %squeeze3A_105 = vector.extract %slice3A_104[0] : f32 from vector<1xf32>
        %add3A_106 = arith.addf %add3A_100, %squeeze3A_105 : f32
        %slice3A_107 = vector.extract_strided_slice %scan3A_92#1 {offsets = [2], sizes = [1], strides = [1]} : vector<16xf32> to vector<1xf32>
        %squeeze3A_108 = vector.extract %slice3A_107[0] : f32 from vector<1xf32>
        %add3A_109 = arith.addf %add3A_103, %squeeze3A_108 : f32
        %slice3A_110 = vector.extract_strided_slice %scan3A_92#0 {offsets = [3], sizes = [1], strides = [1]} : vector<16xf32> to vector<1xf32>
        %squeeze3A_111 = vector.extract %slice3A_110[0] : f32 from vector<1xf32>
        %add3A_112 = arith.addf %add3A_106, %squeeze3A_111 : f32
        %slice3A_113 = vector.extract_strided_slice %scan3A_92#1 {offsets = [3], sizes = [1], strides = [1]} : vector<16xf32> to vector<1xf32>
        %squeeze3A_114 = vector.extract %slice3A_113[0] : f32 from vector<1xf32>
        %add3A_115 = arith.addf %add3A_109, %squeeze3A_114 : f32
        %slice3A_116 = vector.extract_strided_slice %scan3A_92#0 {offsets = [4], sizes = [1], strides = [1]} : vector<16xf32> to vector<1xf32>
        %squeeze3A_117 = vector.extract %slice3A_116[0] : f32 from vector<1xf32>
        %add3A_118 = arith.addf %add3A_112, %squeeze3A_117 : f32
        %slice3A_119 = vector.extract_strided_slice %scan3A_92#1 {offsets = [4], sizes = [1], strides = [1]} : vector<16xf32> to vector<1xf32>
        %squeeze3A_120 = vector.extract %slice3A_119[0] : f32 from vector<1xf32>
        %add3A_121 = arith.addf %add3A_115, %squeeze3A_120 : f32
        %slice3A_122 = vector.extract_strided_slice %scan3A_92#0 {offsets = [5], sizes = [1], strides = [1]} : vector<16xf32> to vector<1xf32>
        %squeeze3A_123 = vector.extract %slice3A_122[0] : f32 from vector<1xf32>
        %add3A_124 = arith.addf %add3A_118, %squeeze3A_123 : f32
        %slice3A_125 = vector.extract_strided_slice %scan3A_92#1 {offsets = [5], sizes = [1], strides = [1]} : vector<16xf32> to vector<1xf32>
        %squeeze3A_126 = vector.extract %slice3A_125[0] : f32 from vector<1xf32>
        %add3A_127 = arith.addf %add3A_121, %squeeze3A_126 : f32
        %slice3A_128 = vector.extract_strided_slice %scan3A_92#0 {offsets = [6], sizes = [1], strides = [1]} : vector<16xf32> to vector<1xf32>
        %squeeze3A_129 = vector.extract %slice3A_128[0] : f32 from vector<1xf32>
        %add3A_130 = arith.addf %add3A_124, %squeeze3A_129 : f32
        %slice3A_131 = vector.extract_strided_slice %scan3A_92#1 {offsets = [6], sizes = [1], strides = [1]} : vector<16xf32> to vector<1xf32>
        %squeeze3A_132 = vector.extract %slice3A_131[0] : f32 from vector<1xf32>
        %add3A_133 = arith.addf %add3A_127, %squeeze3A_132 : f32
        %slice3A_134 = vector.extract_strided_slice %scan3A_92#0 {offsets = [7], sizes = [1], strides = [1]} : vector<16xf32> to vector<1xf32>
        %squeeze3A_135 = vector.extract %slice3A_134[0] : f32 from vector<1xf32>
        %add3A_136 = arith.addf %add3A_130, %squeeze3A_135 : f32
        %slice3A_137 = vector.extract_strided_slice %scan3A_92#1 {offsets = [7], sizes = [1], strides = [1]} : vector<16xf32> to vector<1xf32>
        %squeeze3A_138 = vector.extract %slice3A_137[0] : f32 from vector<1xf32>
        %add3A_139 = arith.addf %add3A_133, %squeeze3A_138 : f32
        %slice3A_140 = vector.extract_strided_slice %scan3A_92#0 {offsets = [8], sizes = [1], strides = [1]} : vector<16xf32> to vector<1xf32>
        %squeeze3A_141 = vector.extract %slice3A_140[0] : f32 from vector<1xf32>
        %add3A_142 = arith.addf %add3A_136, %squeeze3A_141 : f32
        %slice3A_143 = vector.extract_strided_slice %scan3A_92#1 {offsets = [8], sizes = [1], strides = [1]} : vector<16xf32> to vector<1xf32>
        %squeeze3A_144 = vector.extract %slice3A_143[0] : f32 from vector<1xf32>
        %add3A_145 = arith.addf %add3A_139, %squeeze3A_144 : f32
        %slice3A_146 = vector.extract_strided_slice %scan3A_92#0 {offsets = [9], sizes = [1], strides = [1]} : vector<16xf32> to vector<1xf32>
        %squeeze3A_147 = vector.extract %slice3A_146[0] : f32 from vector<1xf32>
        %add3A_148 = arith.addf %add3A_142, %squeeze3A_147 : f32
        %slice3A_149 = vector.extract_strided_slice %scan3A_92#1 {offsets = [9], sizes = [1], strides = [1]} : vector<16xf32> to vector<1xf32>
        %squeeze3A_150 = vector.extract %slice3A_149[0] : f32 from vector<1xf32>
        %add3A_151 = arith.addf %add3A_145, %squeeze3A_150 : f32
        %slice3A_152 = vector.extract_strided_slice %scan3A_92#0 {offsets = [10], sizes = [1], strides = [1]} : vector<16xf32> to vector<1xf32>
        %squeeze3A_153 = vector.extract %slice3A_152[0] : f32 from vector<1xf32>
        %add3A_154 = arith.addf %add3A_148, %squeeze3A_153 : f32
        %slice3A_155 = vector.extract_strided_slice %scan3A_92#1 {offsets = [10], sizes = [1], strides = [1]} : vector<16xf32> to vector<1xf32>
        %squeeze3A_156 = vector.extract %slice3A_155[0] : f32 from vector<1xf32>
        %add3A_157 = arith.addf %add3A_151, %squeeze3A_156 : f32
        %slice3A_158 = vector.extract_strided_slice %scan3A_92#0 {offsets = [11], sizes = [1], strides = [1]} : vector<16xf32> to vector<1xf32>
        %squeeze3A_159 = vector.extract %slice3A_158[0] : f32 from vector<1xf32>
        %add3A_160 = arith.addf %add3A_154, %squeeze3A_159 : f32
        %slice3A_161 = vector.extract_strided_slice %scan3A_92#1 {offsets = [11], sizes = [1], strides = [1]} : vector<16xf32> to vector<1xf32>
        %squeeze3A_162 = vector.extract %slice3A_161[0] : f32 from vector<1xf32>
        %add3A_163 = arith.addf %add3A_157, %squeeze3A_162 : f32
        %slice3A_164 = vector.extract_strided_slice %scan3A_92#0 {offsets = [12], sizes = [1], strides = [1]} : vector<16xf32> to vector<1xf32>
        %squeeze3A_165 = vector.extract %slice3A_164[0] : f32 from vector<1xf32>
        %add3A_166 = arith.addf %add3A_160, %squeeze3A_165 : f32
        %slice3A_167 = vector.extract_strided_slice %scan3A_92#1 {offsets = [12], sizes = [1], strides = [1]} : vector<16xf32> to vector<1xf32>
        %squeeze3A_168 = vector.extract %slice3A_167[0] : f32 from vector<1xf32>
        %add3A_169 = arith.addf %add3A_163, %squeeze3A_168 : f32
        %slice3A_170 = vector.extract_strided_slice %scan3A_92#0 {offsets = [13], sizes = [1], strides = [1]} : vector<16xf32> to vector<1xf32>
        %squeeze3A_171 = vector.extract %slice3A_170[0] : f32 from vector<1xf32>
        %add3A_172 = arith.addf %add3A_166, %squeeze3A_171 : f32
        %slice3A_173 = vector.extract_strided_slice %scan3A_92#1 {offsets = [13], sizes = [1], strides = [1]} : vector<16xf32> to vector<1xf32>
        %squeeze3A_174 = vector.extract %slice3A_173[0] : f32 from vector<1xf32>
        %add3A_175 = arith.addf %add3A_169, %squeeze3A_174 : f32
        %slice3A_176 = vector.extract_strided_slice %scan3A_92#0 {offsets = [14], sizes = [1], strides = [1]} : vector<16xf32> to vector<1xf32>
        %squeeze3A_177 = vector.extract %slice3A_176[0] : f32 from vector<1xf32>
        %add3A_178 = arith.addf %add3A_172, %squeeze3A_177 : f32
        %slice3A_179 = vector.extract_strided_slice %scan3A_92#1 {offsets = [14], sizes = [1], strides = [1]} : vector<16xf32> to vector<1xf32>
        %squeeze3A_180 = vector.extract %slice3A_179[0] : f32 from vector<1xf32>
        %add3A_181 = arith.addf %add3A_175, %squeeze3A_180 : f32
        %slice3A_182 = vector.extract_strided_slice %scan3A_92#0 {offsets = [15], sizes = [1], strides = [1]} : vector<16xf32> to vector<1xf32>
        %squeeze3A_183 = vector.extract %slice3A_182[0] : f32 from vector<1xf32>
        %add3A_184 = arith.addf %add3A_178, %squeeze3A_183 : f32
        %slice3A_185 = vector.extract_strided_slice %scan3A_92#1 {offsets = [15], sizes = [1], strides = [1]} : vector<16xf32> to vector<1xf32>
        %squeeze3A_186 = vector.extract %slice3A_185[0] : f32 from vector<1xf32>
        %add3A_187 = arith.addf %add3A_181, %squeeze3A_186 : f32
        %broadcast_in_dim3A_188 = vector.broadcast %add3A_184 : f32 to vector<16xf32>
        %broadcast_in_dim3A_189 = vector.broadcast %add3A_187 : f32 to vector<16xf32>
        %sub3A_190 = arith.constant 1.000000e+00 : f32
        %sub3A_191 = vector.broadcast %sub3A_190 : f32 to vector<16xf32>
        %sub3A_192 = arith.subf %broadcast_in_dim3A_188, %sub3A_191 : vector<16xf32>
        %mul3A_193 = arith.constant -2.000000e+00 : f32
        %mul3A_194 = vector.broadcast %mul3A_193 : f32 to vector<16xf32>
        %mul3A_195 = arith.mulf %mul3A_194, %broadcast_in_dim3A_189 : vector<16xf32>
        %div3A = arith.divf %sub3A_192, %mul3A_195 : vector<16xf32>
        %sub3A_196 = arith.subf %scan3A_85, %div3A : vector<16xf32>
        scf.yield %sub3A_196 : vector<16xf32>
      }
      %scan3A_76 = arith.constant 12 : i32
      %scan3A_77 = arith.constant 0 : i32
      %scan3A_78 = arith.constant 0 : i32
      %scan3A_79 = arith.constant 128 : i32
      %scan3A_80 = arith.addi %scan3A_78, %scan3A_79 : i32
      %scan3A_81 = arith.constant 1 : i32
      %scan3A_82 = scf.for %scan3A_84 = %scan3A_78 to %scan3A_80 step %scan3A_81 iter_args(%scan3A_85 = %scan3A_77) -> (i32)  : i32 {
        %mul3A_86 = arith.constant 16 : i32
        %mul3A_87 = arith.muli %scan3A_84, %mul3A_86 : i32
        %get3A = arith.index_cast %mul3A_87 : i32 to index
        %get3A_88 = tpu.vector_load %arg5[%get3A] {strides = array<i32>} : memref<2048xf32, #tpu.memory_space<vmem>>, vector<16xf32>,
        %get3A_89 = vector.shape_cast %get3A_88 : vector<16xf32> to vector<16xf32>
        %sub3A_90 = arith.subf %get3A_89, %scan3A_75 : vector<16xf32>
        %max3A_91 = arith.constant 0.000000e+00 : f32
        %max3A_92 = vector.broadcast %max3A_91 : f32 to vector<16xf32>
        %max3A_93 = arith.maximumf %sub3A_90, %max3A_92 : vector<16xf32>
        %mul3A_94 = arith.mulf %max3A_93, %max3A_93 : vector<16xf32>
        %mul3A_95 = arith.constant 16 : i32
        %mul3A_96 = arith.muli %scan3A_84, %mul3A_95 : i32
        %swap3A = arith.index_cast %mul3A_96 : i32 to index
        %swap3A_97 = tpu.vector_load %arg6[%swap3A] {strides = array<i32>} : memref<2048xf32, #tpu.memory_space<vmem>>, vector<16xf32>,
        %swap3A_98 = vector.shape_cast %swap3A_97 : vector<16xf32> to vector<16xf32>
        %swap3A_99 = vector.shape_cast %mul3A_94 : vector<16xf32> to vector<16xf32>
        tpu.vector_store %arg6[%swap3A], %swap3A_99 {strides = array<i32>} : memref<2048xf32, #tpu.memory_space<vmem>>, vector<16xf32>,
        %scan3A_100 = arith.constant 0 : i32
        scf.yield %scan3A_100 : i32
      }
      %scan3A_83 = arith.constant 128 : i32
      "tpu.region"() ({
        %run_scoped3A = tpu.sem_alloc : memref<!tpu.dma_semaphore, #tpu.memory_space<semaphore_mem>>
        %dma_start3A = arith.constant 0 : i32
        %dma_start3A_84 = tpu.memref_slice %arg10[%arg1, %dma_start3A] : memref<8x2048xf32, #tpu.memory_space<vmem_shared>> -> memref<1x2048xf32, #tpu.memory_space<vmem_shared>>
        %dma_start3A_85 = tpu.memref_squeeze %dma_start3A_84 : memref<1x2048xf32, #tpu.memory_space<vmem_shared>> -> memref<2048xf32, #tpu.memory_space<vmem_shared>>
        %dma_start3A_86 = arith.constant 0 : i32
        %dma_start3A_87 = tpu.memref_slice %arg10[%arg1, %dma_start3A_86] : memref<8x2048xf32, #tpu.memory_space<vmem_shared>> -> memref<1x2048xf32, #tpu.memory_space<vmem_shared>>
        %dma_start3A_88 = tpu.memref_squeeze %dma_start3A_87 : memref<1x2048xf32, #tpu.memory_space<vmem_shared>> -> memref<2048xf32, #tpu.memory_space<vmem_shared>>
        tpu.enqueue_dma source(%arg6 : memref<2048xf32, #tpu.memory_space<vmem>>) target(%dma_start3A_88 : memref<2048xf32, #tpu.memory_space<vmem_shared>>) target_semaphore(%run_scoped3A : memref<!tpu.dma_semaphore, #tpu.memory_space<semaphore_mem>>)
        %dma_wait3A = arith.constant 0 : i32
        %dma_wait3A_89 = tpu.memref_slice %arg10[%arg1, %dma_wait3A] : memref<8x2048xf32, #tpu.memory_space<vmem_shared>> -> memref<1x2048xf32, #tpu.memory_space<vmem_shared>>
        %dma_wait3A_90 = tpu.memref_squeeze %dma_wait3A_89 : memref<1x2048xf32, #tpu.memory_space<vmem_shared>> -> memref<2048xf32, #tpu.memory_space<vmem_shared>>
        %dma_wait3A_91 = arith.constant 0 : i32
        %dma_wait3A_92 = tpu.memref_slice %arg10[%arg1, %dma_wait3A_91] : memref<8x2048xf32, #tpu.memory_space<vmem_shared>> -> memref<1x2048xf32, #tpu.memory_space<vmem_shared>>
        %dma_wait3A_93 = tpu.memref_squeeze %dma_wait3A_92 : memref<1x2048xf32, #tpu.memory_space<vmem_shared>> -> memref<2048xf32, #tpu.memory_space<vmem_shared>>
        tpu.wait_dma2 semaphore(%run_scoped3A : memref<!tpu.dma_semaphore, #tpu.memory_space<semaphore_mem>>) src(%arg6 : memref<2048xf32, #tpu.memory_space<vmem>>) dst(%dma_wait3A_93 : memref<2048xf32, #tpu.memory_space<vmem_shared>>)
        tpu.yield
      }) : () -> ()
    } else {
    }
    %barrier3A = arith.constant 0 : index
    tpu.barrier barrier_id(%barrier3A)
    "tpu.region"() ({
      %run_scoped3A = tpu.sem_alloc : memref<!tpu.dma_semaphore, #tpu.memory_space<semaphore_mem>>
      tpu.enqueue_dma source(%arg10 : memref<8x2048xf32, #tpu.memory_space<vmem_shared>>) target(%arg7 : memref<8x2048xf32, #tpu.memory_space<vmem>>) target_semaphore(%run_scoped3A : memref<!tpu.dma_semaphore, #tpu.memory_space<semaphore_mem>>)
      tpu.wait_dma2 semaphore(%run_scoped3A : memref<!tpu.dma_semaphore, #tpu.memory_space<semaphore_mem>>) src(%arg10 : memref<8x2048xf32, #tpu.memory_space<vmem_shared>>) dst(%arg7 : memref<8x2048xf32, #tpu.memory_space<vmem>>)
      tpu.yield
    }) : () -> ()
    %mul3A = arith.constant 2 : i32
    %mul3A_2 = arith.muli %arg1, %mul3A : i32
    %add3A = arith.addi %mul3A_2, %arg0 : i32
    %mul3A_3 = arith.constant 128 : i32
    %mul3A_4 = arith.muli %add3A, %mul3A_3 : i32
    %scan3A = arith.constant 0 : i32
    %scan3A_5 = arith.constant 0 : i32
    %scan3A_6 = arith.constant 128 : i32
    %scan3A_7 = arith.addi %scan3A_5, %scan3A_6 : i32
    %scan3A_8 = arith.constant 1 : i32
    %scan3A_9 = scf.for %scan3A_11 = %scan3A_5 to %scan3A_7 step %scan3A_8 iter_args(%scan3A_12 = %scan3A) -> (i32)  : i32 {
      %add3A_13 = arith.addi %mul3A_4, %scan3A_11 : i32
      "tpu.region"() ({
        %run_scoped3A = tpu.sem_alloc : memref<!tpu.dma_semaphore, #tpu.memory_space<semaphore_mem>>
        %dma_start3A = arith.constant 0 : i32
        %dma_start3A_22 = tpu.memref_slice %arg3[%add3A_13, %dma_start3A] : memref<4096x2048xf32, #tpu.memory_space<hbm>> -> memref<1x2048xf32, #tpu.memory_space<hbm>>
        %dma_start3A_23 = tpu.memref_squeeze %dma_start3A_22 : memref<1x2048xf32, #tpu.memory_space<hbm>> -> memref<2048xf32, #tpu.memory_space<hbm>>
        %dma_start3A_24 = arith.constant 0 : i32
        %dma_start3A_25 = tpu.memref_slice %arg3[%add3A_13, %dma_start3A_24] : memref<4096x2048xf32, #tpu.memory_space<hbm>> -> memref<1x2048xf32, #tpu.memory_space<hbm>>
        %dma_start3A_26 = tpu.memref_squeeze %dma_start3A_25 : memref<1x2048xf32, #tpu.memory_space<hbm>> -> memref<2048xf32, #tpu.memory_space<hbm>>
        tpu.enqueue_dma source(%dma_start3A_26 : memref<2048xf32, #tpu.memory_space<hbm>>) target(%arg8 : memref<2048xf32, #tpu.memory_space<vmem>>) target_semaphore(%run_scoped3A : memref<!tpu.dma_semaphore, #tpu.memory_space<semaphore_mem>>)
        %dma_wait3A = arith.constant 0 : i32
        %dma_wait3A_27 = tpu.memref_slice %arg3[%add3A_13, %dma_wait3A] : memref<4096x2048xf32, #tpu.memory_space<hbm>> -> memref<1x2048xf32, #tpu.memory_space<hbm>>
        %dma_wait3A_28 = tpu.memref_squeeze %dma_wait3A_27 : memref<1x2048xf32, #tpu.memory_space<hbm>> -> memref<2048xf32, #tpu.memory_space<hbm>>
        %dma_wait3A_29 = arith.constant 0 : i32
        %dma_wait3A_30 = tpu.memref_slice %arg3[%add3A_13, %dma_wait3A_29] : memref<4096x2048xf32, #tpu.memory_space<hbm>> -> memref<1x2048xf32, #tpu.memory_space<hbm>>
        %dma_wait3A_31 = tpu.memref_squeeze %dma_wait3A_30 : memref<1x2048xf32, #tpu.memory_space<hbm>> -> memref<2048xf32, #tpu.memory_space<hbm>>
        tpu.wait_dma2 semaphore(%run_scoped3A : memref<!tpu.dma_semaphore, #tpu.memory_space<semaphore_mem>>) src(%dma_wait3A_31 : memref<2048xf32, #tpu.memory_space<hbm>>) dst(%arg8 : memref<2048xf32, #tpu.memory_space<vmem>>)
        tpu.yield
      }) : () -> ()
      %scan3A_14 = arith.constant 0 : i32
      %scan3A_15 = arith.constant 0 : i32
      %scan3A_16 = arith.constant 128 : i32
      %scan3A_17 = arith.addi %scan3A_15, %scan3A_16 : i32
      %scan3A_18 = arith.constant 1 : i32
      %scan3A_19 = scf.for %scan3A_22 = %scan3A_15 to %scan3A_17 step %scan3A_18 iter_args(%scan3A_23 = %scan3A_14) -> (i32)  : i32 {
        %mul3A_24 = arith.constant 16 : i32
        %mul3A_25 = arith.muli %scan3A_22, %mul3A_24 : i32
        %get3A = arith.index_cast %mul3A_25 : i32 to index
        %get3A_26 = tpu.vector_load %arg8[%get3A] {strides = array<i32>} : memref<2048xf32, #tpu.memory_space<vmem>>, vector<16xf32>,
        %get3A_27 = vector.shape_cast %get3A_26 : vector<16xf32> to vector<16xf32>
        %mul3A_28 = arith.constant 16 : i32
        %mul3A_29 = arith.muli %scan3A_22, %mul3A_28 : i32
        %get3A_30 = arith.constant 0 : i32
        %get3A_31 = arith.index_cast %get3A_30 : i32 to index
        %get3A_32 = arith.index_cast %mul3A_29 : i32 to index
        %get3A_33 = tpu.vector_load %arg7[%get3A_31, %get3A_32] {strides = array<i32>} : memref<8x2048xf32, #tpu.memory_space<vmem>>, vector<1x16xf32>,
        %get3A_34 = vector.shape_cast %get3A_33 : vector<1x16xf32> to vector<16xf32>
        %mul3A_35 = arith.mulf %get3A_27, %get3A_34 : vector<16xf32>
        %mul3A_36 = arith.constant 16 : i32
        %mul3A_37 = arith.muli %scan3A_22, %mul3A_36 : i32
        %swap3A = arith.constant 0 : i32
        %swap3A_38 = arith.index_cast %swap3A : i32 to index
        %swap3A_39 = arith.index_cast %mul3A_37 : i32 to index
        %swap3A_40 = tpu.vector_load %arg9[%swap3A_38, %swap3A_39] {strides = array<i32>} : memref<8x2048xf32, #tpu.memory_space<vmem>>, vector<1x16xf32>,
        %swap3A_41 = vector.shape_cast %swap3A_40 : vector<1x16xf32> to vector<16xf32>
        %swap3A_42 = vector.shape_cast %mul3A_35 : vector<16xf32> to vector<1x16xf32>
        tpu.vector_store %arg9[%swap3A_38, %swap3A_39], %swap3A_42 {strides = array<i32>} : memref<8x2048xf32, #tpu.memory_space<vmem>>, vector<1x16xf32>,
        %mul3A_43 = arith.constant 16 : i32
        %mul3A_44 = arith.muli %scan3A_22, %mul3A_43 : i32
        %get3A_45 = arith.constant 1 : i32
        %get3A_46 = arith.index_cast %get3A_45 : i32 to index
        %get3A_47 = arith.index_cast %mul3A_44 : i32 to index
        %get3A_48 = tpu.vector_load %arg7[%get3A_46, %get3A_47] {strides = array<i32>} : memref<8x2048xf32, #tpu.memory_space<vmem>>, vector<1x16xf32>,
        %get3A_49 = vector.shape_cast %get3A_48 : vector<1x16xf32> to vector<16xf32>
        %mul3A_50 = arith.mulf %get3A_27, %get3A_49 : vector<16xf32>
        %mul3A_51 = arith.constant 16 : i32
        %mul3A_52 = arith.muli %scan3A_22, %mul3A_51 : i32
        %swap3A_53 = arith.constant 1 : i32
        %swap3A_54 = arith.index_cast %swap3A_53 : i32 to index
        %swap3A_55 = arith.index_cast %mul3A_52 : i32 to index
        %swap3A_56 = tpu.vector_load %arg9[%swap3A_54, %swap3A_55] {strides = array<i32>} : memref<8x2048xf32, #tpu.memory_space<vmem>>, vector<1x16xf32>,
        %swap3A_57 = vector.shape_cast %swap3A_56 : vector<1x16xf32> to vector<16xf32>
        %swap3A_58 = vector.shape_cast %mul3A_50 : vector<16xf32> to vector<1x16xf32>
        tpu.vector_store %arg9[%swap3A_54, %swap3A_55], %swap3A_58 {strides = array<i32>} : memref<8x2048xf32, #tpu.memory_space<vmem>>, vector<1x16xf32>,
        %mul3A_59 = arith.constant 16 : i32
        %mul3A_60 = arith.muli %scan3A_22, %mul3A_59 : i32
        %get3A_61 = arith.constant 2 : i32
        %get3A_62 = arith.index_cast %get3A_61 : i32 to index
        %get3A_63 = arith.index_cast %mul3A_60 : i32 to index
        %get3A_64 = tpu.vector_load %arg7[%get3A_62, %get3A_63] {strides = array<i32>} : memref<8x2048xf32, #tpu.memory_space<vmem>>, vector<1x16xf32>,
        %get3A_65 = vector.shape_cast %get3A_64 : vector<1x16xf32> to vector<16xf32>
        %mul3A_66 = arith.mulf %get3A_27, %get3A_65 : vector<16xf32>
        %mul3A_67 = arith.constant 16 : i32
        %mul3A_68 = arith.muli %scan3A_22, %mul3A_67 : i32
        %swap3A_69 = arith.constant 2 : i32
        %swap3A_70 = arith.index_cast %swap3A_69 : i32 to index
        %swap3A_71 = arith.index_cast %mul3A_68 : i32 to index
        %swap3A_72 = tpu.vector_load %arg9[%swap3A_70, %swap3A_71] {strides = array<i32>} : memref<8x2048xf32, #tpu.memory_space<vmem>>, vector<1x16xf32>,
        %swap3A_73 = vector.shape_cast %swap3A_72 : vector<1x16xf32> to vector<16xf32>
        %swap3A_74 = vector.shape_cast %mul3A_66 : vector<16xf32> to vector<1x16xf32>
        tpu.vector_store %arg9[%swap3A_70, %swap3A_71], %swap3A_74 {strides = array<i32>} : memref<8x2048xf32, #tpu.memory_space<vmem>>, vector<1x16xf32>,
        %mul3A_75 = arith.constant 16 : i32
        %mul3A_76 = arith.muli %scan3A_22, %mul3A_75 : i32
        %get3A_77 = arith.constant 3 : i32
        %get3A_78 = arith.index_cast %get3A_77 : i32 to index
        %get3A_79 = arith.index_cast %mul3A_76 : i32 to index
        %get3A_80 = tpu.vector_load %arg7[%get3A_78, %get3A_79] {strides = array<i32>} : memref<8x2048xf32, #tpu.memory_space<vmem>>, vector<1x16xf32>,
        %get3A_81 = vector.shape_cast %get3A_80 : vector<1x16xf32> to vector<16xf32>
        %mul3A_82 = arith.mulf %get3A_27, %get3A_81 : vector<16xf32>
        %mul3A_83 = arith.constant 16 : i32
        %mul3A_84 = arith.muli %scan3A_22, %mul3A_83 : i32
        %swap3A_85 = arith.constant 3 : i32
        %swap3A_86 = arith.index_cast %swap3A_85 : i32 to index
        %swap3A_87 = arith.index_cast %mul3A_84 : i32 to index
        %swap3A_88 = tpu.vector_load %arg9[%swap3A_86, %swap3A_87] {strides = array<i32>} : memref<8x2048xf32, #tpu.memory_space<vmem>>, vector<1x16xf32>,
        %swap3A_89 = vector.shape_cast %swap3A_88 : vector<1x16xf32> to vector<16xf32>
        %swap3A_90 = vector.shape_cast %mul3A_82 : vector<16xf32> to vector<1x16xf32>
        tpu.vector_store %arg9[%swap3A_86, %swap3A_87], %swap3A_90 {strides = array<i32>} : memref<8x2048xf32, #tpu.memory_space<vmem>>, vector<1x16xf32>,
        %mul3A_91 = arith.constant 16 : i32
        %mul3A_92 = arith.muli %scan3A_22, %mul3A_91 : i32
        %get3A_93 = arith.constant 4 : i32
        %get3A_94 = arith.index_cast %get3A_93 : i32 to index
        %get3A_95 = arith.index_cast %mul3A_92 : i32 to index
        %get3A_96 = tpu.vector_load %arg7[%get3A_94, %get3A_95] {strides = array<i32>} : memref<8x2048xf32, #tpu.memory_space<vmem>>, vector<1x16xf32>,
        %get3A_97 = vector.shape_cast %get3A_96 : vector<1x16xf32> to vector<16xf32>
        %mul3A_98 = arith.mulf %get3A_27, %get3A_97 : vector<16xf32>
        %mul3A_99 = arith.constant 16 : i32
        %mul3A_100 = arith.muli %scan3A_22, %mul3A_99 : i32
        %swap3A_101 = arith.constant 4 : i32
        %swap3A_102 = arith.index_cast %swap3A_101 : i32 to index
        %swap3A_103 = arith.index_cast %mul3A_100 : i32 to index
        %swap3A_104 = tpu.vector_load %arg9[%swap3A_102, %swap3A_103] {strides = array<i32>} : memref<8x2048xf32, #tpu.memory_space<vmem>>, vector<1x16xf32>,
        %swap3A_105 = vector.shape_cast %swap3A_104 : vector<1x16xf32> to vector<16xf32>
        %swap3A_106 = vector.shape_cast %mul3A_98 : vector<16xf32> to vector<1x16xf32>
        tpu.vector_store %arg9[%swap3A_102, %swap3A_103], %swap3A_106 {strides = array<i32>} : memref<8x2048xf32, #tpu.memory_space<vmem>>, vector<1x16xf32>,
        %mul3A_107 = arith.constant 16 : i32
        %mul3A_108 = arith.muli %scan3A_22, %mul3A_107 : i32
        %get3A_109 = arith.constant 5 : i32
        %get3A_110 = arith.index_cast %get3A_109 : i32 to index
        %get3A_111 = arith.index_cast %mul3A_108 : i32 to index
        %get3A_112 = tpu.vector_load %arg7[%get3A_110, %get3A_111] {strides = array<i32>} : memref<8x2048xf32, #tpu.memory_space<vmem>>, vector<1x16xf32>,
        %get3A_113 = vector.shape_cast %get3A_112 : vector<1x16xf32> to vector<16xf32>
        %mul3A_114 = arith.mulf %get3A_27, %get3A_113 : vector<16xf32>
        %mul3A_115 = arith.constant 16 : i32
        %mul3A_116 = arith.muli %scan3A_22, %mul3A_115 : i32
        %swap3A_117 = arith.constant 5 : i32
        %swap3A_118 = arith.index_cast %swap3A_117 : i32 to index
        %swap3A_119 = arith.index_cast %mul3A_116 : i32 to index
        %swap3A_120 = tpu.vector_load %arg9[%swap3A_118, %swap3A_119] {strides = array<i32>} : memref<8x2048xf32, #tpu.memory_space<vmem>>, vector<1x16xf32>,
        %swap3A_121 = vector.shape_cast %swap3A_120 : vector<1x16xf32> to vector<16xf32>
        %swap3A_122 = vector.shape_cast %mul3A_114 : vector<16xf32> to vector<1x16xf32>
        tpu.vector_store %arg9[%swap3A_118, %swap3A_119], %swap3A_122 {strides = array<i32>} : memref<8x2048xf32, #tpu.memory_space<vmem>>, vector<1x16xf32>,
        %mul3A_123 = arith.constant 16 : i32
        %mul3A_124 = arith.muli %scan3A_22, %mul3A_123 : i32
        %get3A_125 = arith.constant 6 : i32
        %get3A_126 = arith.index_cast %get3A_125 : i32 to index
        %get3A_127 = arith.index_cast %mul3A_124 : i32 to index
        %get3A_128 = tpu.vector_load %arg7[%get3A_126, %get3A_127] {strides = array<i32>} : memref<8x2048xf32, #tpu.memory_space<vmem>>, vector<1x16xf32>,
        %get3A_129 = vector.shape_cast %get3A_128 : vector<1x16xf32> to vector<16xf32>
        %mul3A_130 = arith.mulf %get3A_27, %get3A_129 : vector<16xf32>
        %mul3A_131 = arith.constant 16 : i32
        %mul3A_132 = arith.muli %scan3A_22, %mul3A_131 : i32
        %swap3A_133 = arith.constant 6 : i32
        %swap3A_134 = arith.index_cast %swap3A_133 : i32 to index
        %swap3A_135 = arith.index_cast %mul3A_132 : i32 to index
        %swap3A_136 = tpu.vector_load %arg9[%swap3A_134, %swap3A_135] {strides = array<i32>} : memref<8x2048xf32, #tpu.memory_space<vmem>>, vector<1x16xf32>,
        %swap3A_137 = vector.shape_cast %swap3A_136 : vector<1x16xf32> to vector<16xf32>
        %swap3A_138 = vector.shape_cast %mul3A_130 : vector<16xf32> to vector<1x16xf32>
        tpu.vector_store %arg9[%swap3A_134, %swap3A_135], %swap3A_138 {strides = array<i32>} : memref<8x2048xf32, #tpu.memory_space<vmem>>, vector<1x16xf32>,
        %mul3A_139 = arith.constant 16 : i32
        %mul3A_140 = arith.muli %scan3A_22, %mul3A_139 : i32
        %get3A_141 = arith.constant 7 : i32
        %get3A_142 = arith.index_cast %get3A_141 : i32 to index
        %get3A_143 = arith.index_cast %mul3A_140 : i32 to index
        %get3A_144 = tpu.vector_load %arg7[%get3A_142, %get3A_143] {strides = array<i32>} : memref<8x2048xf32, #tpu.memory_space<vmem>>, vector<1x16xf32>,
        %get3A_145 = vector.shape_cast %get3A_144 : vector<1x16xf32> to vector<16xf32>
        %mul3A_146 = arith.mulf %get3A_27, %get3A_145 : vector<16xf32>
        %mul3A_147 = arith.constant 16 : i32
        %mul3A_148 = arith.muli %scan3A_22, %mul3A_147 : i32
        %swap3A_149 = arith.constant 7 : i32
        %swap3A_150 = arith.index_cast %swap3A_149 : i32 to index
        %swap3A_151 = arith.index_cast %mul3A_148 : i32 to index
        %swap3A_152 = tpu.vector_load %arg9[%swap3A_150, %swap3A_151] {strides = array<i32>} : memref<8x2048xf32, #tpu.memory_space<vmem>>, vector<1x16xf32>,
        %swap3A_153 = vector.shape_cast %swap3A_152 : vector<1x16xf32> to vector<16xf32>
        %swap3A_154 = vector.shape_cast %mul3A_146 : vector<16xf32> to vector<1x16xf32>
        tpu.vector_store %arg9[%swap3A_150, %swap3A_151], %swap3A_154 {strides = array<i32>} : memref<8x2048xf32, #tpu.memory_space<vmem>>, vector<1x16xf32>,
        %scan3A_155 = arith.constant 0 : i32
        scf.yield %scan3A_155 : i32
      }
      %scan3A_20 = arith.constant 128 : i32
      "tpu.region"() ({
        %run_scoped3A = tpu.sem_alloc : memref<!tpu.dma_semaphore, #tpu.memory_space<semaphore_mem>>
        %dma_start3A = arith.constant 0 : i32
        %dma_start3A_22 = arith.constant 0 : i32
        %dma_start3A_23 = tpu.memref_slice %arg4[%add3A_13, %dma_start3A, %dma_start3A_22] : memref<4096x8x2048xf32, #tpu.memory_space<hbm>> -> memref<1x8x2048xf32, #tpu.memory_space<hbm>>
        %dma_start3A_24 = tpu.memref_squeeze %dma_start3A_23 : memref<1x8x2048xf32, #tpu.memory_space<hbm>> -> memref<8x2048xf32, #tpu.memory_space<hbm>>
        %dma_start3A_25 = arith.constant 0 : i32
        %dma_start3A_26 = arith.constant 0 : i32
        %dma_start3A_27 = tpu.memref_slice %arg4[%add3A_13, %dma_start3A_25, %dma_start3A_26] : memref<4096x8x2048xf32, #tpu.memory_space<hbm>> -> memref<1x8x2048xf32, #tpu.memory_space<hbm>>
        %dma_start3A_28 = tpu.memref_squeeze %dma_start3A_27 : memref<1x8x2048xf32, #tpu.memory_space<hbm>> -> memref<8x2048xf32, #tpu.memory_space<hbm>>
        tpu.enqueue_dma source(%arg9 : memref<8x2048xf32, #tpu.memory_space<vmem>>) target(%dma_start3A_28 : memref<8x2048xf32, #tpu.memory_space<hbm>>) target_semaphore(%run_scoped3A : memref<!tpu.dma_semaphore, #tpu.memory_space<semaphore_mem>>)
        %dma_wait3A = arith.constant 0 : i32
        %dma_wait3A_29 = arith.constant 0 : i32
        %dma_wait3A_30 = tpu.memref_slice %arg4[%add3A_13, %dma_wait3A, %dma_wait3A_29] : memref<4096x8x2048xf32, #tpu.memory_space<hbm>> -> memref<1x8x2048xf32, #tpu.memory_space<hbm>>
        %dma_wait3A_31 = tpu.memref_squeeze %dma_wait3A_30 : memref<1x8x2048xf32, #tpu.memory_space<hbm>> -> memref<8x2048xf32, #tpu.memory_space<hbm>>
        %dma_wait3A_32 = arith.constant 0 : i32
        %dma_wait3A_33 = arith.constant 0 : i32
        %dma_wait3A_34 = tpu.memref_slice %arg4[%add3A_13, %dma_wait3A_32, %dma_wait3A_33] : memref<4096x8x2048xf32, #tpu.memory_space<hbm>> -> memref<1x8x2048xf32, #tpu.memory_space<hbm>>
        %dma_wait3A_35 = tpu.memref_squeeze %dma_wait3A_34 : memref<1x8x2048xf32, #tpu.memory_space<hbm>> -> memref<8x2048xf32, #tpu.memory_space<hbm>>
        tpu.wait_dma2 semaphore(%run_scoped3A : memref<!tpu.dma_semaphore, #tpu.memory_space<semaphore_mem>>) src(%arg9 : memref<8x2048xf32, #tpu.memory_space<vmem>>) dst(%dma_wait3A_35 : memref<8x2048xf32, #tpu.memory_space<hbm>>)
        tpu.yield
      }) : () -> ()
      %scan3A_21 = arith.constant 0 : i32
      scf.yield %scan3A_21 : i32
    }
    %scan3A_10 = arith.constant 128 : i32
    return
  }
}

</mosaic_0001>

<sc_bundles>
// kernel: kernel.3.cloned.1.call-start
scs
__scs_entry_jumppad:
0x0: {  	(pc) =	sbr.rel $0x88, $3  }
0x1: {  	(tag) =	ssettag $0x0;
	lr =	simm.s32 $0x1  }
0x2: {  	[smem:$0x3F9F] =	sst lr;
	_ =	strace $0xD0000000  }
0x3: {  	_ = 	snop  }
0x4: {  	_ = 	snop  }
0x5: {  	_ = 	snop  }
0x6: {  	_ = 	snop  }
0x7: {  	_ = 	snop  }
__scs_overlays_trampoline_lowered:
0x8: {  	[smem:$0x3FAE] =	sst s0  }
0x9: {  	[smem:$0x3FAF] =	sst s1  }
0xa: {  	[smem:$0x3FB0] =	sst s2  }
0xb: {  	[smem:$0x3FB1] =	sst s3  }
0xc: {  	[smem:$0x3FB2] =	sst s4  }
0xd: {  	[smem:$0x3FB3] =	sst s5  }
0xe: {  	[smem:$0x3FB4] =	sst s6  }
0xf: {  	[smem:$0x3FB5] =	sst s7  }
0x10: {  	[smem:$0x3FB6] =	sst s8  }
0x11: {  	[smem:$0x3FB7] =	sst s9;
	s0 =	simm.s32 @!p0 $0x0  }
0x12: {  	s1 =	sld [smem:$0x3F9D];
	s0 =	simm.s32 @p0 $0x1  }
0x13: {  	[smem:$0x3FB8] =	sst s0;
	s0 =	simm.s32 @!p1 $0x0  }
0x14: {  	s2 =	sld [smem:$0x3F9C];
	s0 =	simm.s32 @p1 $0x1  }
0x15: {  	[smem:$0x3FB9] =	sst s0;
	s0 =	simm.s32 @!p2 $0x0  }
0x16: {  	s3 =	sld [smem:$0x3FDB];
	s0 =	simm.s32 @p2 $0x1  }
0x17: {  	s4 =	simm.s32 $0x1BF5;
	[smem:$0x3FBB] =	sst s0  }
0x18: {  	s0 =	sld [smem:$0x3F9E];
	_ =	swait.ge [sflag:s4], $0x0  }
0x19: {  	s7 =	sld [smem:$0x3F9F]  }
0x1a: {  	s8 =	sadd.s32 $0xFFFFE003, lr  }
0x1b: {  	s9 =	sadd.s32 $0xFFFFFEF7, lr;
	s5 =	simm.s32 $0xFFFFFFFF;
	p2 =	slt.u32 s8, $0xFFFFF086  }
0x1c: {  	p1 =	slt.u32 s9, $0xF7A;
	s5 =	simm.s32 @!p2 $0x0  }
0x1d: {  	s5 =	simm.s32 @p1 $0x1;
	p0 =	seq.s32 s7, s2  }
0x1e: {  	s7 =	smul.u32 @!p0 $0xF7A, s2;
	p2 =	seq.s32 @!p0 s5, $0x0  }
0x1f: {  	s9 =	smul.u32 $0xF7A, s1;
	s8 =	simm.s32 @!p0 $0x1BF5;
	p2 =	por !p2, p0  }
0x20: {  	[sflag:s8] =	ssyncset.s32 @!p0 $0xFFFFF086;
	s6 =	sadd.s32 @!p0 s3, s7;
	s7 =	simm.s32 @!p0 $0x108  }
0x21: {  	s3 =	sadd.s32 s3, s9;
	s6 =	sadd.s32 @!p0 $0x88, s6;
	s7 =	simm.s32 @p2 $0x1082  }
0x22: {  	[simem:s7], [sflag:s8] =	dma.local @!p0 [hbm:s6], $0xF7A  }
0x23: {  	s9 =	sor.u32 $0xD0000000, s2;
	s6 =	simm.s32 $0x108;
	_ =	swait.ge @!p0 [sflag:s8], $0x0  }
0x24: {  	s3 =	sadd.s32 $0x88, s3;
	s6 =	simm.s32 @!p1 $0x1082;
	[sflag:s4] =	ssyncset.s32 $0xFFFFF086  }
0x25: {  	[simem:s6], [sflag:s4] =	dma.local [hbm:s3], $0xF7A  }
0x26: {  	[smem:$0x3F9F] =	sst s1;
	(tag) =	ssettag s2;
	_ =	strace s9  }
0x27: {  	s1 =	sld [smem:$0x3FAF]  }
0x28: {  	s2 =	sld [smem:$0x3FB0]  }
0x29: {  	s4 =	sld [smem:$0x3FB2]  }
0x2a: {  	p0 =	seq.s32 s5, $0x0;
	s5 =	sld [smem:$0x3FB3]  }
0x2b: {  	s6 =	sld [smem:$0x3FB4]  }
0x2c: {  	s7 =	sld [smem:$0x3FB5]  }
0x2d: {  	s3 =	simm.s32 $0x108;
	s8 =	sld [smem:$0x3FB6]  }
0x2e: {  	s3 =	simm.s32 @!p0 $0x1082;
	s9 =	sld [smem:$0x3FB7]  }
0x2f: {  	lr =	sadd.s32 s0, s3;
	s0 =	sld [smem:$0x3FAE]  }
0x30: {  	s3 =	sld [smem:$0x3FB1]  }
0x31: {  	[smem:$0x3FBA] =	sst s10  }
0x32: {  	s10 =	sld [smem:$0x3FB8];
	_ =	sdelay $0x3  }
0x33: {  	p0 =	seq.s32 s10, $0x1;
	s10 =	sld [smem:$0x3FBA];
	_ =	sdelay $0x3  }
0x34: {  	[smem:$0x3FBA] =	sst s10  }
0x35: {  	s10 =	sld [smem:$0x3FB9];
	_ =	sdelay $0x3  }
0x36: {  	p1 =	seq.s32 s10, $0x1;
	s10 =	sld [smem:$0x3FBA];
	_ =	sdelay $0x3  }
0x37: {  	[smem:$0x3FBA] =	sst s10  }
0x38: {  	s10 =	sld [smem:$0x3FBB]  }
0x39: {  	_ = 	snop;
	(pc) =	sbr.ind lr, $3  }
0x3a: {  	_ = 	snop  }
0x3b: {  	_ = 	snop  }
0x3c: {  	p2 =	seq.s32 s10, $0x1;
	s10 =	sld [smem:$0x3FBA]  }
0x3d: {  	_ =	shalt  }
0x3e: {  	_ =	shalt  }
0x3f: {  	_ =	shalt  }
0x40: {  	_ =	shalt  }
0x41: {  	_ =	shalt  }
0x42: {  	_ =	shalt  }
0x43: {  	_ =	shalt  }
0x44: {  	_ =	shalt  }
0x45: {  	_ =	shalt  }
0x46: {  	_ =	shalt  }
0x47: {  	_ =	shalt  }
0x48: {  	_ =	shalt  }
0x49: {  	_ =	shalt  }
0x4a: {  	_ =	shalt  }
0x4b: {  	_ =	shalt  }
0x4c: {  	_ =	shalt  }
0x4d: {  	_ =	shalt  }
0x4e: {  	_ =	shalt  }
0x4f: {  	_ =	shalt  }
0x50: {  	_ =	shalt  }
0x51: {  	_ =	shalt  }
0x52: {  	_ =	shalt  }
0x53: {  	_ =	shalt  }
0x54: {  	_ =	shalt  }
0x55: {  	_ =	shalt  }
0x56: {  	_ =	shalt  }
0x57: {  	_ =	shalt  }
0x58: {  	_ =	shalt  }
0x59: {  	_ =	shalt  }
0x5a: {  	_ =	shalt  }
0x5b: {  	_ =	shalt  }
0x5c: {  	_ =	shalt  }
0x5d: {  	_ =	shalt  }
0x5e: {  	_ =	shalt  }
0x5f: {  	_ =	shalt  }
0x60: {  	_ =	shalt  }
0x61: {  	_ =	shalt  }
0x62: {  	_ =	shalt  }
0x63: {  	_ =	shalt  }
0x64: {  	_ =	shalt  }
0x65: {  	_ =	shalt  }
0x66: {  	_ =	shalt  }
0x67: {  	_ =	shalt  }
0x68: {  	_ =	shalt  }
0x69: {  	_ =	shalt  }
0x6a: {  	_ =	shalt  }
0x6b: {  	_ =	shalt  }
0x6c: {  	_ =	shalt  }
0x6d: {  	_ =	shalt  }
0x6e: {  	_ =	shalt  }
0x6f: {  	_ =	shalt  }
0x70: {  	_ =	shalt  }
0x71: {  	_ =	shalt  }
0x72: {  	_ =	shalt  }
0x73: {  	_ =	shalt  }
0x74: {  	_ =	shalt  }
0x75: {  	_ =	shalt  }
0x76: {  	_ =	shalt  }
0x77: {  	_ =	shalt  }
0x78: {  	_ =	shalt  }
0x79: {  	_ =	shalt  }
0x7a: {  	_ =	shalt  }
0x7b: {  	_ =	shalt  }
0x7c: {  	_ =	shalt  }
0x7d: {  	_ =	shalt  }
0x7e: {  	_ =	shalt  }
0x7f: {  	_ =	shalt  }
0x80: {  	_ =	shalt  }
0x81: {  	_ =	shalt  }
0x82: {  	_ =	shalt  }
0x83: {  	_ =	shalt  }
0x84: {  	_ =	shalt  }
0x85: {  	_ =	shalt  }
0x86: {  	_ =	shalt  }
0x87: {  	_ =	shalt  }
.Lfunc_end0:
.L_simem_size_0:
called_computation_lowered:
.L_overlay_start_0:
0x88: {  	s2 =	sld [smem:$0x3FD9]  }
0x89: {  	s3 =	sld [smem:$0x3FFE];
	_ =	sdelay $0x1  }
0x8a: {  	s1 =	srdreg.scid  }
0x8b: {  	s0 =	sand.u32 $0x1, s1  }
0x8c: {  	s18 =	sshll.u32 s0, $0xA;
	s2 =	sadd.s32 s3, s2  }
0x8d: {  	s2 =	sadd.s32 s2, s18  }
0x8e: {  	[smem:$0x3FC6] =	sst s2  }
0x8f: {  	_ = 	snop  }
0x90: {  	s2 =	sld [smem:$0x3FC9]  }
0x91: {  	s19 =	sld [smem:$0x3FC8]  }
0x92: {  	s4 =	sld [smem:$0x3FD0];
	(tm) =	ssettm $0x1  }
0x93: {  	s5 =	sld [smem:$0x3FFB];
	_ =	sdelay $0x3  }
0x94: {  	_ =	strace s5  }
0x95: {  	s5 =	sld [smem:$0x3FFC];
	_ =	sdelay $0x3  }
0x96: {  	_ =	strace s5  }
0x97: {  	s5 =	sld [smem:$0x3FFD];
	_ =	sdelay $0x3  }
0x98: {  	_ =	strace s5  }
0x99: {  	_ =	strace $0x8FFFFFFF  }
0x9a: {  	s20 =	sld [smem:$0x3FDB];
	_ =	sdelay $0x1  }
0x9b: {  	s6 =	simm.s32 $_scs_section_size  }
0x9c: {  	s7 =	simm.s32 $_size__tile_overlayer_lowered;
	s8 =	simm.s32 $_tile_overlayer_lowered  }
0x9d: {  	s23 =	simm.s32 $0x1BFF;
	s22 =	sshll.u32 s8, $0x1;
	s5 =	sadd.s32 s6, s20  }
0x9e: {  	s9 =	simm.s32 $0x0;
	s21 =	sshll.u32 s7, $0x1;
	s7 =	sadd.s32 s22, s5  }
0x9f: {  	[timem:s9], [sflag:s23] =	dma.local [hbm:s7], s21  }
0xa0: {  	_ =	swait.ge [sflag:s23], s21  }
0xa1: {  	s6 =	ssub.s32 $0x0, s21;
	[sflag:s23] =	ssyncset.done $0x0  }
0xa2: {  	[sflag:s23] =	ssyncadd.s32 s6;
	_ =	sdelay $0x1  }
0xa3: {  	s24 =	simm.s32 $0x1B8B  }
0xa4: {  	_ =	swait.ge [sflag:s24], $0x1  }
0xa5: {  	[sflag:s24] =	ssyncset.done $0x0  }
0xa6: {  	s25 =	simm.s32 $0x1B8E;
	[sflag:s24] =	ssyncadd.s32 $0xFFFFFFFF  }
0xa7: {  	s26 =	simm.s32 $execute0_lowered;
	[smem:$0x3FD2] =	sst s25  }
0xa8: {  	s6 =	sshll.u32 s26, $0x1;
	_ =	strace $0x80000046;
	[dreg:$0x1] =	wrdreg $0xFFFFFFFF  }
0xa9: {  	s28 =	simm.s32 $_size_execute0_lowered;
	s5 =	sadd.s32 s5, s6;
	[dreg:$0x0] =	wrdreg $0x0  }
0xaa: {  	s6 =	sshll.u32 s28, $0x1;
	[dreg:$0x2] =	wrdreg s5  }
0xab: {  	[dreg:$0x3] =	wrdreg s6  }
0xac: {  	[dreg:$0x4] =	wrdreg $0xC0  }
0xad: {  	_ =	task [dreg:s9], $0x5FFFF  }
0xae: {  	[dreg:$0x1] =	wrdreg $0xFFFFFFFF  }
0xaf: {  	[dreg:$0x0] =	wrdreg $0x60  }
0xb0: {  	[dreg:$0x2] =	wrdreg s19  }
0xb1: {  	[dreg:$0x3] =	wrdreg s2  }
0xb2: {  	[dreg:$0x4] =	wrdreg s4  }
0xb3: {  	[dreg:$0x5] =	wrdreg $0x98000  }
0xb4: {  	[dreg:$0x6] =	wrdreg $0x9  }
0xb5: {  	_ =	task.clear_ibuf [dreg:s9], $0x7FFFF;
	_ =	strace $0x90000046  }
0xb6: {  	s29 =	simm.s32 $0x9;
	_ =	strace $0x80000048  }
0xb7: {  	_ =	swait.ge [sflag:s29], $0x1  }
0xb8: {  	[sflag:s29] =	ssyncadd.s32 $0xFFFFFFFF  }
0xb9: {  	_ =	strace $0x90000048  }
0xba: {  	_ =	sfence  }
0xbb: {  	s30 =	sld [smem:$0x0];
	_ =	sdelay $0x2  }
0xbc: {  	s31 =	sshll.u32 s1, $0xD;
	s1 =	sshrl.u32 s1, $0x2  }
0xbd: {  	s3 =	sand.u32 $0x4000, s31;
	s1 =	sadd.s32 s1, s30  }
0xbe: {  	s0 =	sor.u32 s3, s0;
	s1 =	sshll.u32 s1, $0x11  }
0xbf: {  	s0 =	sor.u32 s1, s0  }
0xc0: {  	s0 =	sadd.s32 $0x8F2B, s0  }
0xc1: {  	[sflag:s0] =	ssyncadd.remote.s32 $0x1  }
0xc2: {  	_ =	sfence.sel $0xFFFF  }
0xc3: {  	[dreg:$0x0] =	wrdreg $0xFFFFFFFF;
	(pc) =	sbr.abs _section_cstart, $3  }
0xc4: {  	[dreg:$0x1] =	wrdreg $0xFFFFFFFF  }
0xc5: {  	_ =	task.clear_ibuf [dreg:s9], $0x2FFFF;
	_ =	strace $0x9FFFFFFF  }
0xc6: {  	(tm) =	ssettm $0x7FFFFFFF  }
0xc7: {  	_ =	shalt  }
tec
execute0_lowered:
.L_overlay_start_1:
0x0: {  	(tag) =	ssettag $0x1  }
0x1: {  	s6 =	rddreg [dreg:$0x0]  }
0x2: {  	s1 =	rddreg [dreg:$0x1]  }
0x3: {  	s2 =	rddreg [dreg:$0x2]  }
0x4: {  	s0 =	srdreg.scid;
	s3 =	rddreg [dreg:$0x3];
	s5 =	simm.s32 $0x0  }
0x5: {  	s4 =	stileid.u32;
	s13 =	simm.s32 $0x800;
	s14 =	simm.s32 $0x1000  }
0x6: {  	s15 =	simm.s32 $0x5800;
	s7 =	sand.u32 $0x1, s0;
	s0 =	rddreg [dreg:$0x4]  }
0x7: {  	s16 =	simm.s32 $0x0;
	[smem:$0x7FF] =	sst s5;
	s31 =	sshll.u32 s4, $0x4  }
0x8: {  	s10 =	sshll.u32 s4, $0x7;
	s11 =	sshll.u32 s4, $0x8;
	p0 =	sgt.u32 s4, $0x7  }
0x9: {  	s8 =	ssub.s32 $0x2, s7;
	_ =	strace $0x80000047;
	s12 =	sshll.u32 s7, $0x7  }
0xa: {  	s6 =	sadd.s32 s6, s31;
	s7 =	sadd.s32 s10, s3;
	s9 =	sshrl.u32 s8, $0x1  }
0xb: {  	s10 =	simm.s32 $0x80;
	s9 =	ssub.s32 s8, s9;
	s8 =	sor.u32 s12, s11  }
0xc: {  	s11 =	simm.s32 $0x400;
	s12 =	simm.s32 $0x1;
	s9 =	smax.u32 s9, $0x1  }
.LBB2_1:
.Ltmp0:
0xd: {  	(pc) =	sbr.rel @p0 .LBB2_13-.Ltmp0, $1  }
0xe: {  	_ =	sdelay $0x3  }
0xf: {  	s17 =	simm.s32 $0x0  }
0x10: {  	[tilespmem:s17], [sflag:$0x1] =	stream.strided.gather [hbm4b:s6+s10], $0x800, s11, s10, $0x38;
	[tilespmem:$0x9C00] =	vst v63  }
0x11: {  	_ =	swait.ge [sflag:s12], $0x800  }
0x12: {  	[sflag:s12] =	ssyncset.done $0x0  }
0x13: {  	s18 =	simm.s32 $0x40;
	s17 =	simm.s32 $0x0;
	[sflag:s12] =	ssyncadd.s32 $0xFFFFF800  }
.LBB2_3:
0x14: {  	p1 =	sne.s32 s18, $0x1FC0;
	v0 =	vld [tilespmem:s17+$0x0];
	_ =	sdelay $0x2  }
.Ltmp1:
0x15: {  	(pc) =	sbr.rel @p1 .LBB2_3-.Ltmp1, $3  }
0x16: {  	_ = 	snop  }
0x17: {  	v0 =	vmul.f32 $5.000000000e-01, v0;
	_ =	sdelay $0x1  }
0x18: {  	[tilespmem:s17+$0x0] =	vst v0;
	s17 =	sshra.s32 s18, $0x2;
	s18 =	sadd.s32 $0x40, s18  }
0x19: {  	v0 =	vld [tilespmem:s17+$0x0];
	_ =	sdelay $0x4  }
0x1a: {  	v0 =	vmul.f32 $5.000000000e-01, v0;
	_ =	sdelay $0x1  }
0x1b: {  	s18 =	simm.s32 $0x0;
	[tilespmem:s17+$0x0] =	vst v0  }
0x1c: {  	v0 =	vimm.f32 $-1.000000020e+30;
	s17 =	simm.s32 $0x40;
	v1 =	vld [tilespmem:s18+$0x0]  }
.LBB2_5:
0x1d: {  	p1 =	sne.s32 s17, $0x1FC0  }
.Ltmp2:
0x1e: {  	_ = 	snop;
	(pc) =	sbr.rel @p1 .LBB2_5-.Ltmp2, $3  }
0x1f: {  	_ =	sdelay $0x1  }
0x20: {  	s18 =	sshra.s32 s17, $0x2;
	s17 =	sadd.s32 $0x40, s17;
	v0 =	vmax.f32 v0, v1  }
0x21: {  	v1 =	vld [tilespmem:s18+$0x0]  }
0x22: {  	_ =	sdelay $0x3  }
0x23: {  	v0 =	vmax.f32 v0, v1  }
0x24: {  	(v2sf) =	vpush v0, $0x0  }
0x25: {  	(v2sf) =	vpush v0, $0x1  }
0x26: {  	(v2sf) =	vpush v0, $0x2  }
0x27: {  	(v2sf) =	vpush v0, $0x3  }
0x28: {  	(v2sf) =	vpush v0, $0x4  }
0x29: {  	(v2sf) =	vpush v0, $0x5  }
0x2a: {  	(v2sf) =	vpush v0, $0x6  }
0x2b: {  	(v2sf) =	vpush v0, $0x7  }
0x2c: {  	(v2sf) =	vpush v0, $0x8  }
0x2d: {  	(v2sf) =	vpush v0, $0x9  }
0x2e: {  	(v2sf) =	vpush v0, $0xA  }
0x2f: {  	(v2sf) =	vpush v0, $0xB  }
0x30: {  	(v2sf) =	vpush v0, $0xC  }
0x31: {  	(v2sf) =	vpush v0, $0xD  }
0x32: {  	(v2sf) =	vpush v0, $0xE  }
0x33: {  	s17 =	spop (v2sf);
	(v2sf) =	vpush v0, $0xF  }
0x34: {  	s18 =	spop (v2sf)  }
0x35: {  	s17 =	smax.f32 s17, s18;
	s30 =	spop (v2sf)  }
0x36: {  	s17 =	smax.f32 s17, s30;
	s31 =	spop (v2sf)  }
0x37: {  	s17 =	smax.f32 s17, s31;
	s19 =	spop (v2sf)  }
0x38: {  	s17 =	smax.f32 s17, s19;
	s20 =	spop (v2sf)  }
0x39: {  	s17 =	smax.f32 s17, s20;
	s21 =	spop (v2sf)  }
0x3a: {  	s17 =	smax.f32 s17, s21;
	s22 =	spop (v2sf)  }
0x3b: {  	s17 =	smax.f32 s17, s22;
	s23 =	spop (v2sf)  }
0x3c: {  	s17 =	smax.f32 s17, s23;
	s24 =	spop (v2sf)  }
0x3d: {  	s17 =	smax.f32 s17, s24;
	s25 =	spop (v2sf)  }
0x3e: {  	s17 =	smax.f32 s17, s25;
	s26 =	spop (v2sf)  }
0x3f: {  	s17 =	smax.f32 s17, s26;
	s28 =	spop (v2sf)  }
0x40: {  	s17 =	smax.f32 s17, s28;
	s29 =	spop (v2sf)  }
0x41: {  	s17 =	smax.f32 s17, s29;
	s30 =	spop (v2sf)  }
0x42: {  	s17 =	smax.f32 s17, s30;
	s31 =	spop (v2sf)  }
0x43: {  	s17 =	smax.f32 s17, s31  }
0x44: {  	s17 =	sadd.f32 $-1.000000000e+00, s17;
	_ =	sdelay $0x1  }
0x45: {  	v0 =	vmov s17;
	s17 =	simm.s32 $0x0  }
.LBB2_7:
0x46: {  	s19 =	simm.s32 $0x0  }
0x47: {  	v3 =	vld [tilespmem:s19+$0x0];
	_ =	sdelay $0x3  }
0x48: {  	v1 =	vimm.f32 $0.0e+00;
	s18 =	simm.s32 $0x40;
	v2 =	vimm.f32 $0.0e+00  }
.LBB2_8:
0x49: {  	s19 =	sshra.s32 s18, $0x2;
	p1 =	sne.s32 s18, $0x1FC0;
	s18 =	sadd.s32 $0x40, s18;
	v4 =	vsub.f32 v3, v0  }
.Ltmp3:
0x4a: {  	v3 =	vld [tilespmem:s19+$0x0];
	(pc) =	sbr.rel @p1 .LBB2_8-.Ltmp3, $3  }
0x4b: {  	v4 =	vmax.f32 v4, $0.0e+00  }
0x4c: {  	v5 =	vmul.f32 v4, v4;
	v1 =	vadd.f32 v4, v1;
	_ =	sdelay $0x1  }
0x4d: {  	v2 =	vadd.f32 v5, v2  }
0x4e: {  	_ = 	snop  }
0x4f: {  	v3 =	vsub.f32 v3, v0;
	_ =	sdelay $0x1  }
0x50: {  	v3 =	vmax.f32 v3, $0.0e+00  }
0x51: {  	v4 =	vmul.f32 v3, v3;
	_ =	sdelay $0x1  }
0x52: {  	v2 =	vadd.f32 v4, v2  }
0x53: {  	v1 =	vadd.f32 v3, v1  }
0x54: {  	(v2sf) =	vpush v2, $0x0  }
0x55: {  	(v2sf) =	vpush v1, $0x0  }
0x56: {  	(v2sf) =	vpush v2, $0x1  }
0x57: {  	(v2sf) =	vpush v1, $0x1  }
0x58: {  	(v2sf) =	vpush v2, $0x2  }
0x59: {  	(v2sf) =	vpush v1, $0x2  }
0x5a: {  	(v2sf) =	vpush v2, $0x3  }
0x5b: {  	(v2sf) =	vpush v1, $0x3  }
0x5c: {  	(v2sf) =	vpush v2, $0x4  }
0x5d: {  	(v2sf) =	vpush v1, $0x4  }
0x5e: {  	(v2sf) =	vpush v2, $0x5  }
0x5f: {  	(v2sf) =	vpush v1, $0x5  }
0x60: {  	(v2sf) =	vpush v2, $0x6  }
0x61: {  	(v2sf) =	vpush v1, $0x6  }
0x62: {  	(v2sf) =	vpush v2, $0x7  }
0x63: {  	s18 =	spop (v2sf);
	(v2sf) =	vpush v1, $0x7  }
0x64: {  	s19 =	spop (v2sf);
	(v2sf) =	vpush v2, $0x8  }
0x65: {  	s20 =	spop (v2sf);
	(v2sf) =	vpush v1, $0x8  }
0x66: {  	s21 =	spop (v2sf);
	(v2sf) =	vpush v2, $0x9  }
0x67: {  	s19 =	sadd.f32 s21, s19;
	s31 =	spop (v2sf);
	(v2sf) =	vpush v1, $0x9  }
0x68: {  	s22 =	spop (v2sf);
	(v2sf) =	vpush v2, $0xA  }
0x69: {  	s19 =	sadd.f32 s19, s22;
	s26 =	spop (v2sf);
	(v2sf) =	vpush v1, $0xA  }
0x6a: {  	s23 =	spop (v2sf);
	(v2sf) =	vpush v2, $0xB  }
0x6b: {  	s19 =	sadd.f32 s19, s23;
	s28 =	spop (v2sf);
	(v2sf) =	vpush v1, $0xB  }
0x6c: {  	s24 =	spop (v2sf);
	(v2sf) =	vpush v2, $0xC  }
0x6d: {  	s19 =	sadd.f32 s19, s24;
	s29 =	spop (v2sf);
	(v2sf) =	vpush v1, $0xC  }
0x6e: {  	s25 =	spop (v2sf);
	(v2sf) =	vpush v2, $0xD  }
0x6f: {  	s19 =	sadd.f32 s19, s25;
	s25 =	spop (v2sf);
	(v2sf) =	vpush v1, $0xD  }
0x70: {  	s18 =	sadd.f32 s20, s18;
	s30 =	spop (v2sf);
	(v2sf) =	vpush v2, $0xE  }
0x71: {  	s19 =	sadd.f32 s19, s30;
	s20 =	spop (v2sf);
	(v2sf) =	vpush v1, $0xE  }
0x72: {  	s18 =	sadd.f32 s18, s31;
	s31 =	spop (v2sf);
	(v2sf) =	vpush v2, $0xF  }
0x73: {  	s19 =	sadd.f32 s19, s31;
	s21 =	spop (v2sf);
	(v2sf) =	vpush v1, $0xF  }
0x74: {  	s18 =	sadd.f32 s18, s26;
	s26 =	spop (v2sf)  }
0x75: {  	s19 =	sadd.f32 s19, s26;
	s22 =	spop (v2sf)  }
0x76: {  	s18 =	sadd.f32 s18, s28;
	s28 =	spop (v2sf)  }
0x77: {  	s19 =	sadd.f32 s19, s28;
	s23 =	spop (v2sf)  }
0x78: {  	s18 =	sadd.f32 s18, s29;
	s29 =	spop (v2sf)  }
0x79: {  	s19 =	sadd.f32 s19, s29;
	s24 =	spop (v2sf)  }
0x7a: {  	s18 =	sadd.f32 s18, s25;
	s30 =	spop (v2sf)  }
0x7b: {  	s19 =	sadd.f32 s19, s30;
	s25 =	spop (v2sf)  }
0x7c: {  	s18 =	sadd.f32 s18, s20;
	s31 =	spop (v2sf)  }
0x7d: {  	s19 =	sadd.f32 s19, s31;
	s20 =	spop (v2sf)  }
0x7e: {  	s18 =	sadd.f32 s18, s21;
	s26 =	spop (v2sf)  }
0x7f: {  	s19 =	sadd.f32 s19, s26;
	s28 =	spop (v2sf)  }
0x80: {  	s18 =	sadd.f32 s18, s22;
	s29 =	spop (v2sf)  }
0x81: {  	s19 =	sadd.f32 s19, s29;
	s30 =	spop (v2sf)  }
0x82: {  	s18 =	sadd.f32 s18, s23;
	s31 =	spop (v2sf)  }
0x83: {  	s19 =	sadd.f32 s19, s31;
	_ =	sdelay $0x1  }
0x84: {  	s18 =	sadd.f32 s18, s24;
	v1 =	vmov s19  }
0x85: {  	v1 =	vmul.f32 $-2.000000000e+00, v1  }
0x86: {  	s18 =	sadd.f32 s18, s25  }
0x87: {  	v1 =	vbroadcast v1, $0x0  }
0x88: {  	s18 =	sadd.f32 s18, s20  }
0x89: {  	(erf) = vrcp.f32 v1  }
0x8a: {  	s18 =	sadd.f32 s18, s28;
	_ =	sdelay $0x1  }
0x8b: {  	s18 =	sadd.f32 s18, s30;
	_ =	sdelay $0x1  }
0x8c: {  	v1 =	vmov s18  }
0x8d: {  	v1 =	vadd.f32 $-1.000000000e+00, v1  }
0x8e: {  	s17 =	sadd.s32 $0x1, s17  }
0x8f: {  	p1 =	sne.s32 s17, $0xC;
	v1 =	vbroadcast v1, $0x0  }
.Ltmp4:
0x90: {  	v2 =	vpop (erf);
	(pc) =	sbr.rel @p1 .LBB2_7-.Ltmp4, $2  }
0x91: {  	v1 =	vmul.f32 v2, v1;
	_ =	sdelay $0x1  }
0x92: {  	v0 =	vsub.f32 v0, v1;
	_ =	sdelay $0x1  }
0x93: {  	s17 =	simm.s32 $0x0  }
0x94: {  	v1 =	vld [tilespmem:s17+$0x0];
	_ =	sdelay $0x3  }
0x95: {  	s18 =	simm.s32 $0x40  }
.LBB2_11:
0x96: {  	s19 =	sshra.s32 s18, $0x2;
	p1 =	sne.s32 s18, $0x1FC0;
	s18 =	sadd.s32 $0x40, s18;
	v2 =	vsub.f32 v1, v0  }
.Ltmp5:
0x97: {  	v1 =	vld [tilespmem:s19+$0x0];
	(pc) =	sbr.rel @p1 .LBB2_11-.Ltmp5, $3  }
0x98: {  	v2 =	vmax.f32 v2, $0.0e+00  }
0x99: {  	v2 =	vmul.f32 v2, v2;
	_ =	sdelay $0x1  }
0x9a: {  	[tilespmem:s17+$0x800] =	vst v2;
	s17 =	smov.u32 s19  }
0x9b: {  	v0 =	vsub.f32 v1, v0;
	_ =	sdelay $0x1  }
0x9c: {  	v0 =	vmax.f32 v0, $0.0e+00  }
0x9d: {  	v0 =	vmul.f32 v0, v0;
	_ =	sdelay $0x1  }
0x9e: {  	[tilespmem:s17+$0x800] =	vst v0  }
0x9f: {  	[spmem:s7] =	stream.strided.scatter [tilespmem:s13], [sflag:$0x1], $0x800, s11, s10, $0x38;
	[tilespmem:$0x9C00] =	vst v63  }
0xa0: {  	_ =	swait.ge [sflag:s12], $0x800  }
0xa1: {  	[sflag:s12] =	ssyncset.done $0x0  }
0xa2: {  	[sflag:s12] =	ssyncadd.s32 $0xFFFFF800  }
.LBB2_13:
0xa3: {  	[bflag:$0x0] =	sbarrier.arrive $0xFFFF  }
0xa4: {  	[tilespmem:s14], [sflag:$0x1] =	stream.linear.gather [spmem:s3], $0x4000, $0x38;
	[tilespmem:$0x9C00] =	vst v63  }
0xa5: {  	_ =	swait.ge [sflag:s12], $0x4000  }
0xa6: {  	[sflag:s12] =	ssyncset.done $0x0  }
0xa7: {  	s17 =	simm.s32 $0x0;
	s18 =	simm.s32 $0x0;
	[sflag:s12] =	ssyncadd.s32 $0xFFFFC000  }
.LBB2_14:
0xa8: {  	s19 =	sadd.s32 s8, s18;
	s20 =	sshll.u32 s18, $0x4  }
0xa9: {  	s21 =	sshll.u32 s19, $0x8;
	s20 =	sand.u32 $0x70, s20  }
0xaa: {  	s21 =	sand.u32 $0xFF800, s21;
	s20 =	sadd.s32 s1, s20  }
0xab: {  	s21 =	sadd.s32 s21, s20;
	s20 =	simm.s32 $0x5000  }
0xac: {  	[tilespmem:s20], [sflag:$0x1] =	stream.strided.gather [hbm4b:s21+s10], $0x800, s11, s10, $0x38;
	[tilespmem:$0x9C00] =	vst v63  }
0xad: {  	_ =	swait.ge [sflag:s12], $0x800  }
0xae: {  	[sflag:s12] =	ssyncset.done $0x0  }
0xaf: {  	s30 =	sand.u32 $0x70, s17;
	s22 =	sand.u32 $0x3C00, s17;
	[sflag:s12] =	ssyncadd.s32 $0xFFFFF800  }
0xb0: {  	s21 =	sor.u32 s30, s22;
	v0 =	vld [tilespmem:s20+$0x0]  }
0xb1: {  	v1 =	vld [tilespmem:s21+$0x1300]  }
0xb2: {  	v2 =	vld [tilespmem:s21+$0x1100]  }
0xb3: {  	v3 =	vld [tilespmem:s21+$0x1180]  }
0xb4: {  	v4 =	vld [tilespmem:s21+$0x1280]  }
0xb5: {  	v5 =	vld [tilespmem:s21+$0x1080]  }
0xb6: {  	v6 =	vld [tilespmem:s21+$0x1200];
	v1 =	vmul.f32 v1, v0  }
0xb7: {  	v7 =	vld [tilespmem:s21+$0x1000];
	v2 =	vmul.f32 v2, v0  }
0xb8: {  	v3 =	vmul.f32 v3, v0;
	[tilespmem:s21+$0x5B00] =	vst v1  }
0xb9: {  	[tilespmem:s21+$0x5900] =	vst v2;
	v1 =	vmul.f32 v4, v0  }
0xba: {  	v2 =	vmul.f32 v5, v0;
	[tilespmem:s21+$0x5980] =	vst v3  }
0xbb: {  	s31 =	sand.u32 $0x7, s17;
	v3 =	vmul.f32 v6, v0;
	[tilespmem:s21+$0x5A80] =	vst v1  }
0xbc: {  	s22 =	sshll.u32 s31, $0x4;
	v1 =	vmul.f32 v7, v0;
	[tilespmem:s21+$0x5880] =	vst v2  }
0xbd: {  	s22 =	sadd.s32 $0x0, s22;
	[tilespmem:s21+$0x5A00] =	vst v3  }
0xbe: {  	s24 =	sor.u32 $0x380, s22;
	[tilespmem:s21+$0x5800] =	vst v1  }
0xbf: {  	s23 =	simm.s32 $0x0;
	s22 =	simm.s32 $0x0;
	s21 =	simm.s32 $0x10;
	v1 =	vld [tilespmem:s24+$0x1000]  }
.LBB2_15:
0xc0: {  	s22 =	sadd.s32 $0x80, s22;
	s23 =	sadd.s32 $0x1, s23;
	s20 =	sadd.s32 $0x10, s20  }
0xc1: {  	p1 =	sne.s32 s21, $0x7F0;
	s25 =	smov.u32 s21;
	s21 =	sadd.s32 $0x10, s21  }
0xc2: {  	_ =	sdelay $0x1  }
0xc3: {  	v0 =	vmul.f32 v1, v0;
	_ =	sdelay $0x1  }
0xc4: {  	[tilespmem:s24+$0x5800] =	vst v0  }
0xc5: {  	s24 =	sand.u32 $0x70, s25;
	s25 =	sand.u32 $0x3C00, s22  }
0xc6: {  	s24 =	sor.u32 s24, s25;
	v0 =	vld [tilespmem:s20+$0x0]  }
0xc7: {  	v1 =	vld [tilespmem:s24+$0x1300]  }
0xc8: {  	v2 =	vld [tilespmem:s24+$0x1100]  }
0xc9: {  	v3 =	vld [tilespmem:s24+$0x1180]  }
0xca: {  	v4 =	vld [tilespmem:s24+$0x1280]  }
0xcb: {  	v5 =	vld [tilespmem:s24+$0x1080]  }
0xcc: {  	v6 =	vld [tilespmem:s24+$0x1200];
	v1 =	vmul.f32 v1, v0  }
0xcd: {  	v7 =	vld [tilespmem:s24+$0x1000];
	v2 =	vmul.f32 v2, v0  }
0xce: {  	v3 =	vmul.f32 v3, v0;
	[tilespmem:s24+$0x5B00] =	vst v1  }
0xcf: {  	[tilespmem:s24+$0x5900] =	vst v2;
	v1 =	vmul.f32 v4, v0  }
0xd0: {  	v2 =	vmul.f32 v5, v0;
	[tilespmem:s24+$0x5980] =	vst v3  }
.Ltmp6:
0xd1: {  	s25 =	sand.u32 $0x7, s23;
	v3 =	vmul.f32 v6, v0;
	[tilespmem:s24+$0x5A80] =	vst v1;
	(pc) =	sbr.rel @p1 .LBB2_15-.Ltmp6, $4  }
0xd2: {  	s25 =	sshll.u32 s25, $0x4;
	v1 =	vmul.f32 v7, v0;
	[tilespmem:s24+$0x5880] =	vst v2  }
0xd3: {  	s25 =	sadd.s32 s25, s22;
	[tilespmem:s24+$0x5A00] =	vst v3  }
0xd4: {  	[tilespmem:s24+$0x5800] =	vst v1;
	s24 =	sor.u32 $0x380, s25  }
0xd5: {  	v1 =	vld [tilespmem:s24+$0x1000]  }
0xd6: {  	_ =	sdelay $0x3  }
0xd7: {  	s18 =	sadd.s32 $0x1, s18;
	v0 =	vmul.f32 v1, v0  }
0xd8: {  	s19 =	sshll.u32 s19, $0xB;
	p1 =	sne.s32 s18, $0x80  }
.Ltmp7:
0xd9: {  	s19 =	sadd.s32 s2, s19;
	[tilespmem:s24+$0x5800] =	vst v0;
	(pc) =	sbr.rel @p1 .LBB2_14-.Ltmp7, $4  }
0xda: {  	[hbm4b:s19+s5] =	stream.linear.scatter [tilespmem:s15], [sflag:$0x1], $0x4000, $0x38;
	[tilespmem:$0x9C00] =	vst v63  }
0xdb: {  	_ =	swait.ge [sflag:s12], $0x4000  }
0xdc: {  	[sflag:s12] =	ssyncset.done $0x0  }
0xdd: {  	[sflag:s12] =	ssyncadd.s32 $0xFFFFC000  }
0xde: {  	s16 =	sadd.s32 $0x1, s16  }
0xdf: {  	p1 =	sne.s32 s16, s9  }
.Ltmp8:
0xe0: {  	_ = 	snop;
	(pc) =	sbr.rel @p1 .LBB2_1-.Ltmp8, $1  }
0xe1: {  	_ =	sdelay $0x3  }
0xe2: {  	_ =	sfence.sel $0x180000  }
0xe3: {  	[bflag:$0x0] =	sbarrier.arrive $0xFFFF  }
0xe4: {  	p0 =	sne.s32 s4, $0x0;
	_ =	strace $0x90000047  }
0xe5: {  	s0 =	sadd.s32 @!p0 $0x100000, s0;
	[bflag:$0x2] =	sbarrier.arrive $0xFFFF  }
0xe6: {  	[sflag:s0] =	ssyncadd.tile.s32 @!p0 $0x1;
	_ =	shalt  }
.Lfunc_end2:
_tile_overlayer_lowered:
.L_overlay_start_2:
0xe7: {  	(tag) =	ssettag $0x2  }
0xe8: {  	s0 =	rddreg [dreg:$0x0];
	s2 =	stileid.u32  }
0xe9: {  	s1 =	rddreg [dreg:$0x1];
	p0 =	sne.s32 s2, $0x0  }
0xea: {  	s3 =	rddreg [dreg:$0x2];
	[bflag:$0x3] =	sbarrier.arrive $0xFFFF;
	s2 =	simm.s32 @!p0 $0x1C01  }
0xeb: {  	[timem:s3], [sflag:s2] =	dma.local @!p0 [hbm:s0], s1  }
0xec: {  	s0 =	simm.s32 @!p0 $0x1  }
0xed: {  	_ =	swait.ge @!p0 [sflag:s0], s1  }
0xee: {  	s1 =	ssub.s32 @!p0 $0x0, s1;
	[sflag:s0] =	ssyncset.done @!p0 $0x0  }
0xef: {  	[sflag:s0] =	ssyncadd.s32 @!p0 s1  }
0xf0: {  	[bflag:$0x3] =	sbarrier.arrive $0xFFFF  }
0xf1: {  	_ =	shalt  }

</sc_bundles>
